<compile_context>
chip_gen: v7x
topology: tpu7x:2x2x1
jax: 0.10.2.dev20260603
libtpu: 0.0.44.dev20260713+nightly
codegen_flags: <defaults>
</compile_context>

<pallas_src>
import jax
import jax.numpy as jnp
from jax import lax
from jax.experimental import pallas as pl
from jax.experimental.pallas import tpu as pltpu
from jax.experimental.pallas import tpu_sc as plsc

VOCAB = 1000000
BATCH = 16384
FIELDS = 26
EMBED = 64
NUM_WORKERS = 32
NBLK = BATCH // 128
BLK_PER_W = NBLK // NUM_WORKERS
ITEMS = FIELDS * BLK_PER_W
GPAD = 129


def _body(idx_hbm, table_hbm, out_hbm, idx_v, gbufs, obufs, gsem, ssem):
    wid = lax.axis_index("s") * 2 + lax.axis_index("c")
    w4 = wid * BLK_PER_W
    pltpu.sync_copy(idx_hbm.at[:, pl.ds(w4, BLK_PER_W), :], idx_v)

    iota = lax.iota(jnp.int32, 16)
    e8s = [(iota + g * 16) // 8 for g in range(4)]
    ers = [lax.rem(iota + g * 16, 8) for g in range(4)]

    def fire_gather(k, b):
        f = k // BLK_PER_W
        j = lax.rem(k, BLK_PER_W)
        pltpu.async_copy(table_hbm.at[idx_v.at[f, j]], gbufs[b], gsem)

    def wait_gather(b):
        pltpu.make_async_copy(
            table_hbm.at[idx_v.at[0, 0]], gbufs[b], gsem).wait()

    def fire_store(k, b):
        f = k // BLK_PER_W
        blk = w4 + lax.rem(k, BLK_PER_W)
        pltpu.async_copy(
            obufs[b].at[:, :, pl.ds(0, 128)], out_hbm.at[f, :, blk], ssem)

    def wait_store(b):
        pltpu.make_async_copy(
            obufs[b].at[:, :, pl.ds(0, 128)], out_hbm.at[0, :, 0], ssem).wait()

    def select(b):
        def inner(c4, carry):
            c0 = c4 * 4
            vecs = []
            for q in range(4):
                for g in range(4):
                    vecs.append(gbufs[b][c0 + q, pl.ds(g * 16, 16)])
            for q in range(4):
                cs = jnp.full((16,), 0, jnp.int32) + (c0 + q)
                for g in range(4):
                    plsc.store_scatter(
                        obufs[b], [e8s[g], ers[g], cs], vecs[q * 4 + g])
            return carry

        lax.fori_loop(0, 32, inner, 0)

    fire_gather(0, 0)

    def outer(k2, carry):
        k = k2 * 2
        for p in range(2):
            kk = k + p

            @pl.when(kk + 1 < ITEMS)
            def _():
                fire_gather(kk + 1, 1 - p)

            wait_gather(p)

            @pl.when(kk >= 2)
            def _():
                wait_store(p)

            select(p)
            fire_store(kk, p)
        return carry

    lax.fori_loop(0, ITEMS // 2, outer, 0)
    wait_store(0)
    wait_store(1)


def kernel(indices, E):
    idx3 = jnp.transpose(indices).reshape(FIELDS, NBLK, 128).astype(jnp.int32)
    mesh = plsc.VectorSubcoreMesh(core_axis_name="c", subcore_axis_name="s")
    run = pl.kernel(
        _body,
        out_type=jax.ShapeDtypeStruct((FIELDS, 8, NBLK, 8, 128), jnp.float32),
        mesh=mesh,
        scratch_types=[
            pltpu.VMEM((FIELDS, BLK_PER_W, 128), jnp.int32),
            [pltpu.VMEM((128, EMBED), jnp.float32) for _ in range(2)],
            [pltpu.VMEM((8, 8, GPAD), jnp.float32) for _ in range(2)],
            pltpu.SemaphoreType.DMA,
            pltpu.SemaphoreType.DMA,
        ],
        compiler_params=pltpu.CompilerParams(
            use_tc_tiling_on_sc=False, needs_layout_passes=False),
    )
    p_out = run(idx3, E)
    return p_out.transpose(2, 4, 0, 1, 3).reshape(BATCH, FIELDS, EMBED)

# --- scband reference (transcript-rebuilt; emitter-appended) ---
"""Pipeline reference for scband-embedding-82987358094155 (READ-ONLY COPY).

The authoritative reference and input builder live on the scoring server;
editing this copy changes nothing except your own understanding.
"""

import jax, jax.numpy as jnp
import numpy as np

VOCAB = 1000000
EMBED_DIM = 64
BATCH = 16384
FIELDS = 26

def setup_inputs(seed: int = 0) -> dict:
    key = jax.random.key(seed)
    k_idx, k_E = jax.random.split(key)
    indices = jax.random.randint(k_idx, (BATCH, FIELDS), 0, VOCAB, dtype=jnp.int64 if jax.config.jax_enable_x64 else jnp.int32)
    # glorot_normal init for the embedding table (fan_in=VOCAB, fan_out=EMBED_DIM)
    std = (2.0 / (VOCAB + EMBED_DIM)) ** 0.5
    E = jax.random.normal(k_E, (VOCAB, EMBED_DIM), dtype=jnp.float32) * std
    return {"indices": indices, "E": E}

def reference(indices, E):
    # Faithful translation of Embedding.__call__
    return jnp.take(E, indices, axis=0)

if __name__ == "__main__":
    import jax
    _d = setup_inputs()
    print(jax.jit(kernel)(*tuple(_d.values())))

</pallas_src>

<mosaic_0001>
#map = affine_map<(d0, d1) -> (0, 0, 0)>
#map1 = affine_map<(d0, d1) -> (0, 0)>
#map2 = affine_map<(d0, d1) -> (0, 0, 0, 0, 0)>
module attributes {stable_mosaic.version = 14 : i64} {
  func.func @_body(%arg0: i32, %arg1: i32, %arg2: memref<26x128x128xi32, #tpu.memory_space<hbm>>, %arg3: memref<1000000x64xf32, #tpu.memory_space<hbm>>, %arg4: memref<26x8x128x8x128xf32, #tpu.memory_space<hbm>>, %arg5: memref<26x4x128xi32, #tpu.memory_space<vmem>>, %arg6: memref<128x64xf32, #tpu.memory_space<vmem>>, %arg7: memref<128x64xf32, #tpu.memory_space<vmem>>, %arg8: memref<8x8x129xf32, #tpu.memory_space<vmem>>, %arg9: memref<8x8x129xf32, #tpu.memory_space<vmem>>, %arg10: memref<!tpu.dma_semaphore, #tpu.memory_space<semaphore_mem>>, %arg11: memref<!tpu.dma_semaphore, #tpu.memory_space<semaphore_mem>>) attributes {dimension_semantics = [#tpu.dimension_semantics<core_parallel>, #tpu.dimension_semantics<subcore_parallel>], iteration_bounds = array<i64: 2, 16>, scalar_prefetch = 0 : i64, scratch_operands = 7 : i64, tpu.core_type = #tpu.core_type<sc_vector_subcore>, window_params = [{transform_indices = #map}, {transform_indices = #map1}, {transform_indices = #map2}]} {
    %mul3A = arith.constant 2 : i32
    %mul3A_0 = arith.muli %arg1, %mul3A : i32
    %add3A = arith.addi %mul3A_0, %arg0 : i32
    %mul3A_1 = arith.constant 4 : i32
    %mul3A_2 = arith.muli %add3A, %mul3A_1 : i32
    "tpu.region"() ({
      %run_scoped3A = tpu.sem_alloc : memref<!tpu.dma_semaphore, #tpu.memory_space<semaphore_mem>>
      %dma_start3A_208 = arith.constant 0 : i32
      %dma_start3A_209 = arith.constant 0 : i32
      %dma_start3A_210 = tpu.memref_slice %arg2[%dma_start3A_208, %mul3A_2, %dma_start3A_209] : memref<26x128x128xi32, #tpu.memory_space<hbm>> -> memref<26x4x128xi32, #tpu.memory_space<hbm>>
      %dma_start3A_211 = arith.constant 0 : i32
      %dma_start3A_212 = arith.constant 0 : i32
      %dma_start3A_213 = tpu.memref_slice %arg2[%dma_start3A_211, %mul3A_2, %dma_start3A_212] : memref<26x128x128xi32, #tpu.memory_space<hbm>> -> memref<26x4x128xi32, #tpu.memory_space<hbm>>
      tpu.enqueue_dma source(%dma_start3A_213 : memref<26x4x128xi32, #tpu.memory_space<hbm>>) target(%arg5 : memref<26x4x128xi32, #tpu.memory_space<vmem>>) target_semaphore(%run_scoped3A : memref<!tpu.dma_semaphore, #tpu.memory_space<semaphore_mem>>)
      %dma_wait3A_214 = arith.constant 0 : i32
      %dma_wait3A_215 = arith.constant 0 : i32
      %dma_wait3A_216 = tpu.memref_slice %arg2[%dma_wait3A_214, %mul3A_2, %dma_wait3A_215] : memref<26x128x128xi32, #tpu.memory_space<hbm>> -> memref<26x4x128xi32, #tpu.memory_space<hbm>>
      %dma_wait3A_217 = arith.constant 0 : i32
      %dma_wait3A_218 = arith.constant 0 : i32
      %dma_wait3A_219 = tpu.memref_slice %arg2[%dma_wait3A_217, %mul3A_2, %dma_wait3A_218] : memref<26x128x128xi32, #tpu.memory_space<hbm>> -> memref<26x4x128xi32, #tpu.memory_space<hbm>>
      tpu.wait_dma2 semaphore(%run_scoped3A : memref<!tpu.dma_semaphore, #tpu.memory_space<semaphore_mem>>) src(%dma_wait3A_219 : memref<26x4x128xi32, #tpu.memory_space<hbm>>) dst(%arg5 : memref<26x4x128xi32, #tpu.memory_space<vmem>>)
      tpu.yield
    }) : () -> ()
    %iota3A = tpu.iota {dimensions = array<i32: 0>} : vector<16xi32>
    %add3A_3 = arith.constant 0 : i32
    %add3A_4 = vector.broadcast %add3A_3 : i32 to vector<16xi32>
    %add3A_5 = arith.addi %iota3A, %add3A_4 : vector<16xi32>
    %jit3A = arith.constant 8 : i32
    %div3A = vector.broadcast %jit3A : i32 to vector<16xi32>
    %div3A_6 = arith.divsi %add3A_5, %div3A : vector<16xi32>
    %sign3A = arith.constant 0 : i32
    %sign3A_7 = vector.broadcast %sign3A : i32 to vector<16xi32>
    %sign3A_8 = arith.cmpi sgt, %add3A_5, %sign3A_7 : vector<16xi32>
    %sign3A_9 = arith.extui %sign3A_8 : vector<16xi1> to vector<16xi32>
    %sign3A_10 = arith.constant 0 : i32
    %sign3A_11 = vector.broadcast %sign3A_10 : i32 to vector<16xi32>
    %sign3A_12 = arith.cmpi slt, %add3A_5, %sign3A_11 : vector<16xi32>
    %sign3A_13 = arith.extui %sign3A_12 : vector<16xi1> to vector<16xi32>
    %sign3A_14 = arith.subi %sign3A_9, %sign3A_13 : vector<16xi32>
    %sign3A_15 = arith.constant 0 : i32
    %sign3A_16 = arith.cmpi sgt, %jit3A, %sign3A_15 : i32
    %sign3A_17 = arith.extui %sign3A_16 : i1 to i32
    %sign3A_18 = arith.constant 0 : i32
    %sign3A_19 = arith.cmpi slt, %jit3A, %sign3A_18 : i32
    %sign3A_20 = arith.extui %sign3A_19 : i1 to i32
    %sign3A_21 = arith.subi %sign3A_17, %sign3A_20 : i32
    %ne3A = vector.broadcast %sign3A_21 : i32 to vector<16xi32>
    %ne3A_22 = arith.cmpi ne, %sign3A_14, %ne3A : vector<16xi32>
    %rem3A = vector.broadcast %jit3A : i32 to vector<16xi32>
    %rem3A_23 = arith.remsi %add3A_5, %rem3A : vector<16xi32>
    %ne3A_24 = arith.constant 0 : i32
    %ne3A_25 = vector.broadcast %ne3A_24 : i32 to vector<16xi32>
    %ne3A_26 = arith.cmpi ne, %rem3A_23, %ne3A_25 : vector<16xi32>
    %and3A = arith.andi %ne3A_22, %ne3A_26 : vector<16xi1>
    %sub3A = arith.constant 1 : i32
    %sub3A_27 = vector.broadcast %sub3A : i32 to vector<16xi32>
    %sub3A_28 = arith.subi %div3A_6, %sub3A_27 : vector<16xi32>
    %select_n3A = arith.select %and3A, %sub3A_28, %div3A_6 : vector<16xi1>, vector<16xi32>
    %add3A_29 = arith.constant 16 : i32
    %add3A_30 = vector.broadcast %add3A_29 : i32 to vector<16xi32>
    %add3A_31 = arith.addi %iota3A, %add3A_30 : vector<16xi32>
    %jit3A_32 = arith.constant 8 : i32
    %div3A_33 = vector.broadcast %jit3A_32 : i32 to vector<16xi32>
    %div3A_34 = arith.divsi %add3A_31, %div3A_33 : vector<16xi32>
    %sign3A_35 = arith.constant 0 : i32
    %sign3A_36 = vector.broadcast %sign3A_35 : i32 to vector<16xi32>
    %sign3A_37 = arith.cmpi sgt, %add3A_31, %sign3A_36 : vector<16xi32>
    %sign3A_38 = arith.extui %sign3A_37 : vector<16xi1> to vector<16xi32>
    %sign3A_39 = arith.constant 0 : i32
    %sign3A_40 = vector.broadcast %sign3A_39 : i32 to vector<16xi32>
    %sign3A_41 = arith.cmpi slt, %add3A_31, %sign3A_40 : vector<16xi32>
    %sign3A_42 = arith.extui %sign3A_41 : vector<16xi1> to vector<16xi32>
    %sign3A_43 = arith.subi %sign3A_38, %sign3A_42 : vector<16xi32>
    %sign3A_44 = arith.constant 0 : i32
    %sign3A_45 = arith.cmpi sgt, %jit3A_32, %sign3A_44 : i32
    %sign3A_46 = arith.extui %sign3A_45 : i1 to i32
    %sign3A_47 = arith.constant 0 : i32
    %sign3A_48 = arith.cmpi slt, %jit3A_32, %sign3A_47 : i32
    %sign3A_49 = arith.extui %sign3A_48 : i1 to i32
    %sign3A_50 = arith.subi %sign3A_46, %sign3A_49 : i32
    %ne3A_51 = vector.broadcast %sign3A_50 : i32 to vector<16xi32>
    %ne3A_52 = arith.cmpi ne, %sign3A_43, %ne3A_51 : vector<16xi32>
    %rem3A_53 = vector.broadcast %jit3A_32 : i32 to vector<16xi32>
    %rem3A_54 = arith.remsi %add3A_31, %rem3A_53 : vector<16xi32>
    %ne3A_55 = arith.constant 0 : i32
    %ne3A_56 = vector.broadcast %ne3A_55 : i32 to vector<16xi32>
    %ne3A_57 = arith.cmpi ne, %rem3A_54, %ne3A_56 : vector<16xi32>
    %and3A_58 = arith.andi %ne3A_52, %ne3A_57 : vector<16xi1>
    %sub3A_59 = arith.constant 1 : i32
    %sub3A_60 = vector.broadcast %sub3A_59 : i32 to vector<16xi32>
    %sub3A_61 = arith.subi %div3A_34, %sub3A_60 : vector<16xi32>
    %select_n3A_62 = arith.select %and3A_58, %sub3A_61, %div3A_34 : vector<16xi1>, vector<16xi32>
    %add3A_63 = arith.constant 32 : i32
    %add3A_64 = vector.broadcast %add3A_63 : i32 to vector<16xi32>
    %add3A_65 = arith.addi %iota3A, %add3A_64 : vector<16xi32>
    %jit3A_66 = arith.constant 8 : i32
    %div3A_67 = vector.broadcast %jit3A_66 : i32 to vector<16xi32>
    %div3A_68 = arith.divsi %add3A_65, %div3A_67 : vector<16xi32>
    %sign3A_69 = arith.constant 0 : i32
    %sign3A_70 = vector.broadcast %sign3A_69 : i32 to vector<16xi32>
    %sign3A_71 = arith.cmpi sgt, %add3A_65, %sign3A_70 : vector<16xi32>
    %sign3A_72 = arith.extui %sign3A_71 : vector<16xi1> to vector<16xi32>
    %sign3A_73 = arith.constant 0 : i32
    %sign3A_74 = vector.broadcast %sign3A_73 : i32 to vector<16xi32>
    %sign3A_75 = arith.cmpi slt, %add3A_65, %sign3A_74 : vector<16xi32>
    %sign3A_76 = arith.extui %sign3A_75 : vector<16xi1> to vector<16xi32>
    %sign3A_77 = arith.subi %sign3A_72, %sign3A_76 : vector<16xi32>
    %sign3A_78 = arith.constant 0 : i32
    %sign3A_79 = arith.cmpi sgt, %jit3A_66, %sign3A_78 : i32
    %sign3A_80 = arith.extui %sign3A_79 : i1 to i32
    %sign3A_81 = arith.constant 0 : i32
    %sign3A_82 = arith.cmpi slt, %jit3A_66, %sign3A_81 : i32
    %sign3A_83 = arith.extui %sign3A_82 : i1 to i32
    %sign3A_84 = arith.subi %sign3A_80, %sign3A_83 : i32
    %ne3A_85 = vector.broadcast %sign3A_84 : i32 to vector<16xi32>
    %ne3A_86 = arith.cmpi ne, %sign3A_77, %ne3A_85 : vector<16xi32>
    %rem3A_87 = vector.broadcast %jit3A_66 : i32 to vector<16xi32>
    %rem3A_88 = arith.remsi %add3A_65, %rem3A_87 : vector<16xi32>
    %ne3A_89 = arith.constant 0 : i32
    %ne3A_90 = vector.broadcast %ne3A_89 : i32 to vector<16xi32>
    %ne3A_91 = arith.cmpi ne, %rem3A_88, %ne3A_90 : vector<16xi32>
    %and3A_92 = arith.andi %ne3A_86, %ne3A_91 : vector<16xi1>
    %sub3A_93 = arith.constant 1 : i32
    %sub3A_94 = vector.broadcast %sub3A_93 : i32 to vector<16xi32>
    %sub3A_95 = arith.subi %div3A_68, %sub3A_94 : vector<16xi32>
    %select_n3A_96 = arith.select %and3A_92, %sub3A_95, %div3A_68 : vector<16xi1>, vector<16xi32>
    %add3A_97 = arith.constant 48 : i32
    %add3A_98 = vector.broadcast %add3A_97 : i32 to vector<16xi32>
    %add3A_99 = arith.addi %iota3A, %add3A_98 : vector<16xi32>
    %jit3A_100 = arith.constant 8 : i32
    %div3A_101 = vector.broadcast %jit3A_100 : i32 to vector<16xi32>
    %div3A_102 = arith.divsi %add3A_99, %div3A_101 : vector<16xi32>
    %sign3A_103 = arith.constant 0 : i32
    %sign3A_104 = vector.broadcast %sign3A_103 : i32 to vector<16xi32>
    %sign3A_105 = arith.cmpi sgt, %add3A_99, %sign3A_104 : vector<16xi32>
    %sign3A_106 = arith.extui %sign3A_105 : vector<16xi1> to vector<16xi32>
    %sign3A_107 = arith.constant 0 : i32
    %sign3A_108 = vector.broadcast %sign3A_107 : i32 to vector<16xi32>
    %sign3A_109 = arith.cmpi slt, %add3A_99, %sign3A_108 : vector<16xi32>
    %sign3A_110 = arith.extui %sign3A_109 : vector<16xi1> to vector<16xi32>
    %sign3A_111 = arith.subi %sign3A_106, %sign3A_110 : vector<16xi32>
    %sign3A_112 = arith.constant 0 : i32
    %sign3A_113 = arith.cmpi sgt, %jit3A_100, %sign3A_112 : i32
    %sign3A_114 = arith.extui %sign3A_113 : i1 to i32
    %sign3A_115 = arith.constant 0 : i32
    %sign3A_116 = arith.cmpi slt, %jit3A_100, %sign3A_115 : i32
    %sign3A_117 = arith.extui %sign3A_116 : i1 to i32
    %sign3A_118 = arith.subi %sign3A_114, %sign3A_117 : i32
    %ne3A_119 = vector.broadcast %sign3A_118 : i32 to vector<16xi32>
    %ne3A_120 = arith.cmpi ne, %sign3A_111, %ne3A_119 : vector<16xi32>
    %rem3A_121 = vector.broadcast %jit3A_100 : i32 to vector<16xi32>
    %rem3A_122 = arith.remsi %add3A_99, %rem3A_121 : vector<16xi32>
    %ne3A_123 = arith.constant 0 : i32
    %ne3A_124 = vector.broadcast %ne3A_123 : i32 to vector<16xi32>
    %ne3A_125 = arith.cmpi ne, %rem3A_122, %ne3A_124 : vector<16xi32>
    %and3A_126 = arith.andi %ne3A_120, %ne3A_125 : vector<16xi1>
    %sub3A_127 = arith.constant 1 : i32
    %sub3A_128 = vector.broadcast %sub3A_127 : i32 to vector<16xi32>
    %sub3A_129 = arith.subi %div3A_102, %sub3A_128 : vector<16xi32>
    %select_n3A_130 = arith.select %and3A_126, %sub3A_129, %div3A_102 : vector<16xi1>, vector<16xi32>
    %add3A_131 = arith.constant 0 : i32
    %add3A_132 = vector.broadcast %add3A_131 : i32 to vector<16xi32>
    %add3A_133 = arith.addi %iota3A, %add3A_132 : vector<16xi32>
    %rem3A_134 = arith.constant 8 : i32
    %rem3A_135 = vector.broadcast %rem3A_134 : i32 to vector<16xi32>
    %rem3A_136 = arith.remsi %add3A_133, %rem3A_135 : vector<16xi32>
    %add3A_137 = arith.constant 16 : i32
    %add3A_138 = vector.broadcast %add3A_137 : i32 to vector<16xi32>
    %add3A_139 = arith.addi %iota3A, %add3A_138 : vector<16xi32>
    %rem3A_140 = arith.constant 8 : i32
    %rem3A_141 = vector.broadcast %rem3A_140 : i32 to vector<16xi32>
    %rem3A_142 = arith.remsi %add3A_139, %rem3A_141 : vector<16xi32>
    %add3A_143 = arith.constant 32 : i32
    %add3A_144 = vector.broadcast %add3A_143 : i32 to vector<16xi32>
    %add3A_145 = arith.addi %iota3A, %add3A_144 : vector<16xi32>
    %rem3A_146 = arith.constant 8 : i32
    %rem3A_147 = vector.broadcast %rem3A_146 : i32 to vector<16xi32>
    %rem3A_148 = arith.remsi %add3A_145, %rem3A_147 : vector<16xi32>
    %add3A_149 = arith.constant 48 : i32
    %add3A_150 = vector.broadcast %add3A_149 : i32 to vector<16xi32>
    %add3A_151 = arith.addi %iota3A, %add3A_150 : vector<16xi32>
    %rem3A_152 = arith.constant 8 : i32
    %rem3A_153 = vector.broadcast %rem3A_152 : i32 to vector<16xi32>
    %rem3A_154 = arith.remsi %add3A_151, %rem3A_153 : vector<16xi32>
    %rem3A_155 = arith.constant 0 : i32
    %rem3A_156 = arith.constant 4 : i32
    %rem3A_157 = arith.remsi %rem3A_155, %rem3A_156 : i32
    %dma_start3A = arith.constant 0 : i32
    %dma_start3A_158 = arith.constant 0 : i32
    %dma_start3A_159 = tpu.memref_slice %arg5[%dma_start3A, %rem3A_157, %dma_start3A_158] : memref<26x4x128xi32, #tpu.memory_space<vmem>> -> memref<1x1x128xi32, #tpu.memory_space<vmem>>
    %dma_start3A_160 = tpu.memref_squeeze %dma_start3A_159 : memref<1x1x128xi32, #tpu.memory_space<vmem>> -> memref<128xi32, #tpu.memory_space<vmem>>
    %dma_start3A_161 = arith.constant 0 : i32
    %dma_start3A_162 = arith.constant 0 : i32
    %dma_start3A_163 = tpu.memref_slice %arg3[%dma_start3A_161, %dma_start3A_162] : memref<1000000x64xf32, #tpu.memory_space<hbm>> -> memref<1000000x64xf32, #tpu.memory_space<hbm>>
    tpu.enqueue_indirect_dma source(%dma_start3A_163 : memref<1000000x64xf32, #tpu.memory_space<hbm>>) target(%arg6 : memref<128x64xf32, #tpu.memory_space<vmem>>) offsets(%dma_start3A_160 : memref<128xi32, #tpu.memory_space<vmem>>) semaphore(%arg10 : memref<!tpu.dma_semaphore, #tpu.memory_space<semaphore_mem>>)
    %scan3A = arith.constant 0 : i32
    %scan3A_164 = arith.constant 0 : i32
    %scan3A_165 = arith.constant 52 : i32
    %scan3A_166 = arith.addi %scan3A_164, %scan3A_165 : i32
    %scan3A_167 = arith.constant 1 : i32
    scf.for %scan3A_208 = %scan3A_164 to %scan3A_166 step %scan3A_167  : i32 {
      %mul3A_209 = arith.constant 2 : i32
      %mul3A_210 = arith.muli %scan3A_208, %mul3A_209 : i32
      %add3A_211 = arith.constant 0 : i32
      %add3A_212 = arith.addi %mul3A_210, %add3A_211 : i32
      %add3A_213 = arith.constant 1 : i32
      %add3A_214 = arith.addi %add3A_212, %add3A_213 : i32
      %lt3A = arith.constant 104 : i32
      %lt3A_215 = arith.cmpi slt, %add3A_214, %lt3A : i32
      %convert_element_type3A = arith.extui %lt3A_215 : i1 to i32
      %cond3A = arith.constant 0 : i32
      %cond3A_216 = arith.cmpi ne, %convert_element_type3A, %cond3A : i32
      scf.if %cond3A_216 {
        %add3A_353 = arith.constant 1 : i32
        %add3A_354 = arith.addi %add3A_212, %add3A_353 : i32
        %jit3A_355 = arith.constant 4 : i32
        %div3A_356 = arith.divsi %add3A_354, %jit3A_355 : i32
        %sign3A_357 = arith.constant 0 : i32
        %sign3A_358 = arith.cmpi sgt, %add3A_354, %sign3A_357 : i32
        %sign3A_359 = arith.extui %sign3A_358 : i1 to i32
        %sign3A_360 = arith.constant 0 : i32
        %sign3A_361 = arith.cmpi slt, %add3A_354, %sign3A_360 : i32
        %sign3A_362 = arith.extui %sign3A_361 : i1 to i32
        %sign3A_363 = arith.subi %sign3A_359, %sign3A_362 : i32
        %sign3A_364 = arith.constant 0 : i32
        %sign3A_365 = arith.cmpi sgt, %jit3A_355, %sign3A_364 : i32
        %sign3A_366 = arith.extui %sign3A_365 : i1 to i32
        %sign3A_367 = arith.constant 0 : i32
        %sign3A_368 = arith.cmpi slt, %jit3A_355, %sign3A_367 : i32
        %sign3A_369 = arith.extui %sign3A_368 : i1 to i32
        %sign3A_370 = arith.subi %sign3A_366, %sign3A_369 : i32
        %ne3A_371 = arith.cmpi ne, %sign3A_363, %sign3A_370 : i32
        %rem3A_372 = arith.remsi %add3A_354, %jit3A_355 : i32
        %ne3A_373 = arith.constant 0 : i32
        %ne3A_374 = arith.cmpi ne, %rem3A_372, %ne3A_373 : i32
        %and3A_375 = arith.andi %ne3A_371, %ne3A_374 : i1
        %sub3A_376 = arith.constant 1 : i32
        %sub3A_377 = arith.subi %div3A_356, %sub3A_376 : i32
        %select_n3A_378 = arith.select %and3A_375, %sub3A_377, %div3A_356 : i32
        %rem3A_379 = arith.constant 4 : i32
        %rem3A_380 = arith.remsi %add3A_354, %rem3A_379 : i32
        %dma_start3A_381 = arith.constant 0 : i32
        %dma_start3A_382 = tpu.memref_slice %arg5[%select_n3A_378, %rem3A_380, %dma_start3A_381] : memref<26x4x128xi32, #tpu.memory_space<vmem>> -> memref<1x1x128xi32, #tpu.memory_space<vmem>>
        %dma_start3A_383 = tpu.memref_squeeze %dma_start3A_382 : memref<1x1x128xi32, #tpu.memory_space<vmem>> -> memref<128xi32, #tpu.memory_space<vmem>>
        %dma_start3A_384 = arith.constant 0 : i32
        %dma_start3A_385 = arith.constant 0 : i32
        %dma_start3A_386 = tpu.memref_slice %arg3[%dma_start3A_384, %dma_start3A_385] : memref<1000000x64xf32, #tpu.memory_space<hbm>> -> memref<1000000x64xf32, #tpu.memory_space<hbm>>
        tpu.enqueue_indirect_dma source(%dma_start3A_386 : memref<1000000x64xf32, #tpu.memory_space<hbm>>) target(%arg7 : memref<128x64xf32, #tpu.memory_space<vmem>>) offsets(%dma_start3A_383 : memref<128xi32, #tpu.memory_space<vmem>>) semaphore(%arg10 : memref<!tpu.dma_semaphore, #tpu.memory_space<semaphore_mem>>)
      } else {
      }
      %dma_wait3A_217 = arith.constant 0 : i32
      %dma_wait3A_218 = arith.constant 0 : i32
      %dma_wait3A_219 = arith.constant 0 : i32
      %dma_wait3A_220 = tpu.memref_slice %arg5[%dma_wait3A_217, %dma_wait3A_218, %dma_wait3A_219] : memref<26x4x128xi32, #tpu.memory_space<vmem>> -> memref<1x1x128xi32, #tpu.memory_space<vmem>>
      %dma_wait3A_221 = tpu.memref_squeeze %dma_wait3A_220 : memref<1x1x128xi32, #tpu.memory_space<vmem>> -> memref<128xi32, #tpu.memory_space<vmem>>
      %dma_wait3A_222 = arith.constant 0 : i32
      %dma_wait3A_223 = arith.constant 0 : i32
      %dma_wait3A_224 = tpu.memref_slice %arg3[%dma_wait3A_222, %dma_wait3A_223] : memref<1000000x64xf32, #tpu.memory_space<hbm>> -> memref<1000000x64xf32, #tpu.memory_space<hbm>>
      tpu.wait_indirect_dma semaphore(%arg10 : memref<!tpu.dma_semaphore, #tpu.memory_space<semaphore_mem>>) src(%dma_wait3A_224 : memref<1000000x64xf32, #tpu.memory_space<hbm>>) dst(%arg6 : memref<128x64xf32, #tpu.memory_space<vmem>>)
      %ge3A = arith.constant 2 : i32
      %ge3A_225 = arith.cmpi sge, %add3A_212, %ge3A : i32
      %convert_element_type3A_226 = arith.extui %ge3A_225 : i1 to i32
      %cond3A_227 = arith.constant 0 : i32
      %cond3A_228 = arith.cmpi ne, %convert_element_type3A_226, %cond3A_227 : i32
      scf.if %cond3A_228 {
        %dma_wait3A_353 = arith.constant 0 : i32
        %dma_wait3A_354 = arith.constant 0 : i32
        %dma_wait3A_355 = arith.constant 0 : i32
        %dma_wait3A_356 = arith.constant 0 : i32
        %dma_wait3A_357 = arith.constant 0 : i32
        %dma_wait3A_358 = tpu.memref_slice %arg8[%dma_wait3A_355, %dma_wait3A_356, %dma_wait3A_357] : memref<8x8x129xf32, #tpu.memory_space<vmem>> -> memref<8x8x128xf32, #tpu.memory_space<vmem>>
        %dma_wait3A_359 = arith.constant 0 : i32
        %dma_wait3A_360 = arith.constant 0 : i32
        %dma_wait3A_361 = arith.constant 0 : i32
        %dma_wait3A_362 = tpu.memref_slice %arg4[%dma_wait3A_353, %dma_wait3A_359, %dma_wait3A_354, %dma_wait3A_360, %dma_wait3A_361] : memref<26x8x128x8x128xf32, #tpu.memory_space<hbm>> -> memref<1x8x1x8x128xf32, #tpu.memory_space<hbm>>
        %dma_wait3A_363 = tpu.memref_squeeze %dma_wait3A_362 : memref<1x8x1x8x128xf32, #tpu.memory_space<hbm>> -> memref<8x8x128xf32, #tpu.memory_space<hbm>>
        %dma_wait3A_364 = arith.constant 0 : i32
        %dma_wait3A_365 = arith.constant 0 : i32
        %dma_wait3A_366 = arith.constant 0 : i32
        %dma_wait3A_367 = tpu.memref_slice %arg4[%dma_wait3A_353, %dma_wait3A_364, %dma_wait3A_354, %dma_wait3A_365, %dma_wait3A_366] : memref<26x8x128x8x128xf32, #tpu.memory_space<hbm>> -> memref<1x8x1x8x128xf32, #tpu.memory_space<hbm>>
        %dma_wait3A_368 = tpu.memref_squeeze %dma_wait3A_367 : memref<1x8x1x8x128xf32, #tpu.memory_space<hbm>> -> memref<8x8x128xf32, #tpu.memory_space<hbm>>
        %dma_wait3A_369 = arith.constant 0 : i32
        %dma_wait3A_370 = arith.constant 0 : i32
        %dma_wait3A_371 = arith.constant 0 : i32
        %dma_wait3A_372 = tpu.memref_slice %arg8[%dma_wait3A_369, %dma_wait3A_370, %dma_wait3A_371] : memref<8x8x129xf32, #tpu.memory_space<vmem>> -> memref<8x8x128xf32, #tpu.memory_space<vmem>>
        tpu.wait_dma2 semaphore(%arg11 : memref<!tpu.dma_semaphore, #tpu.memory_space<semaphore_mem>>) src(%dma_wait3A_372 : memref<8x8x128xf32, #tpu.memory_space<vmem>>) dst(%dma_wait3A_368 : memref<8x8x128xf32, #tpu.memory_space<hbm>>)
      } else {
      }
      %scan3A_229 = arith.constant 0 : i32
      %scan3A_230 = arith.constant 0 : i32
      %scan3A_231 = arith.constant 32 : i32
      %scan3A_232 = arith.addi %scan3A_230, %scan3A_231 : i32
      %scan3A_233 = arith.constant 1 : i32
      scf.for %scan3A_353 = %scan3A_230 to %scan3A_232 step %scan3A_233  : i32 {
        %mul3A_354 = arith.constant 4 : i32
        %mul3A_355 = arith.muli %scan3A_353, %mul3A_354 : i32
        %add3A_356 = arith.constant 0 : i32
        %add3A_357 = arith.addi %mul3A_355, %add3A_356 : i32
        %get3A = arith.index_cast %add3A_357 : i32 to index
        %get3A_358 = arith.constant 0 : index
        %get3A_359 = tpu.vector_load %arg6[%get3A, %get3A_358] {strides = array<i32>} : memref<128x64xf32, #tpu.memory_space<vmem>>, vector<16xf32>,
        %add3A_360 = arith.constant 0 : i32
        %add3A_361 = arith.addi %mul3A_355, %add3A_360 : i32
        %get3A_362 = arith.index_cast %add3A_361 : i32 to index
        %get3A_363 = arith.constant 16 : index
        %get3A_364 = tpu.vector_load %arg6[%get3A_362, %get3A_363] {strides = array<i32>} : memref<128x64xf32, #tpu.memory_space<vmem>>, vector<16xf32>,
        %add3A_365 = arith.constant 0 : i32
        %add3A_366 = arith.addi %mul3A_355, %add3A_365 : i32
        %get3A_367 = arith.index_cast %add3A_366 : i32 to index
        %get3A_368 = arith.constant 32 : index
        %get3A_369 = tpu.vector_load %arg6[%get3A_367, %get3A_368] {strides = array<i32>} : memref<128x64xf32, #tpu.memory_space<vmem>>, vector<16xf32>,
        %add3A_370 = arith.constant 0 : i32
        %add3A_371 = arith.addi %mul3A_355, %add3A_370 : i32
        %get3A_372 = arith.index_cast %add3A_371 : i32 to index
        %get3A_373 = arith.constant 48 : index
        %get3A_374 = tpu.vector_load %arg6[%get3A_372, %get3A_373] {strides = array<i32>} : memref<128x64xf32, #tpu.memory_space<vmem>>, vector<16xf32>,
        %add3A_375 = arith.constant 1 : i32
        %add3A_376 = arith.addi %mul3A_355, %add3A_375 : i32
        %get3A_377 = arith.index_cast %add3A_376 : i32 to index
        %get3A_378 = arith.constant 0 : index
        %get3A_379 = tpu.vector_load %arg6[%get3A_377, %get3A_378] {strides = array<i32>} : memref<128x64xf32, #tpu.memory_space<vmem>>, vector<16xf32>,
        %add3A_380 = arith.constant 1 : i32
        %add3A_381 = arith.addi %mul3A_355, %add3A_380 : i32
        %get3A_382 = arith.index_cast %add3A_381 : i32 to index
        %get3A_383 = arith.constant 16 : index
        %get3A_384 = tpu.vector_load %arg6[%get3A_382, %get3A_383] {strides = array<i32>} : memref<128x64xf32, #tpu.memory_space<vmem>>, vector<16xf32>,
        %add3A_385 = arith.constant 1 : i32
        %add3A_386 = arith.addi %mul3A_355, %add3A_385 : i32
        %get3A_387 = arith.index_cast %add3A_386 : i32 to index
        %get3A_388 = arith.constant 32 : index
        %get3A_389 = tpu.vector_load %arg6[%get3A_387, %get3A_388] {strides = array<i32>} : memref<128x64xf32, #tpu.memory_space<vmem>>, vector<16xf32>,
        %add3A_390 = arith.constant 1 : i32
        %add3A_391 = arith.addi %mul3A_355, %add3A_390 : i32
        %get3A_392 = arith.index_cast %add3A_391 : i32 to index
        %get3A_393 = arith.constant 48 : index
        %get3A_394 = tpu.vector_load %arg6[%get3A_392, %get3A_393] {strides = array<i32>} : memref<128x64xf32, #tpu.memory_space<vmem>>, vector<16xf32>,
        %add3A_395 = arith.constant 2 : i32
        %add3A_396 = arith.addi %mul3A_355, %add3A_395 : i32
        %get3A_397 = arith.index_cast %add3A_396 : i32 to index
        %get3A_398 = arith.constant 0 : index
        %get3A_399 = tpu.vector_load %arg6[%get3A_397, %get3A_398] {strides = array<i32>} : memref<128x64xf32, #tpu.memory_space<vmem>>, vector<16xf32>,
        %add3A_400 = arith.constant 2 : i32
        %add3A_401 = arith.addi %mul3A_355, %add3A_400 : i32
        %get3A_402 = arith.index_cast %add3A_401 : i32 to index
        %get3A_403 = arith.constant 16 : index
        %get3A_404 = tpu.vector_load %arg6[%get3A_402, %get3A_403] {strides = array<i32>} : memref<128x64xf32, #tpu.memory_space<vmem>>, vector<16xf32>,
        %add3A_405 = arith.constant 2 : i32
        %add3A_406 = arith.addi %mul3A_355, %add3A_405 : i32
        %get3A_407 = arith.index_cast %add3A_406 : i32 to index
        %get3A_408 = arith.constant 32 : index
        %get3A_409 = tpu.vector_load %arg6[%get3A_407, %get3A_408] {strides = array<i32>} : memref<128x64xf32, #tpu.memory_space<vmem>>, vector<16xf32>,
        %add3A_410 = arith.constant 2 : i32
        %add3A_411 = arith.addi %mul3A_355, %add3A_410 : i32
        %get3A_412 = arith.index_cast %add3A_411 : i32 to index
        %get3A_413 = arith.constant 48 : index
        %get3A_414 = tpu.vector_load %arg6[%get3A_412, %get3A_413] {strides = array<i32>} : memref<128x64xf32, #tpu.memory_space<vmem>>, vector<16xf32>,
        %add3A_415 = arith.constant 3 : i32
        %add3A_416 = arith.addi %mul3A_355, %add3A_415 : i32
        %get3A_417 = arith.index_cast %add3A_416 : i32 to index
        %get3A_418 = arith.constant 0 : index
        %get3A_419 = tpu.vector_load %arg6[%get3A_417, %get3A_418] {strides = array<i32>} : memref<128x64xf32, #tpu.memory_space<vmem>>, vector<16xf32>,
        %add3A_420 = arith.constant 3 : i32
        %add3A_421 = arith.addi %mul3A_355, %add3A_420 : i32
        %get3A_422 = arith.index_cast %add3A_421 : i32 to index
        %get3A_423 = arith.constant 16 : index
        %get3A_424 = tpu.vector_load %arg6[%get3A_422, %get3A_423] {strides = array<i32>} : memref<128x64xf32, #tpu.memory_space<vmem>>, vector<16xf32>,
        %add3A_425 = arith.constant 3 : i32
        %add3A_426 = arith.addi %mul3A_355, %add3A_425 : i32
        %get3A_427 = arith.index_cast %add3A_426 : i32 to index
        %get3A_428 = arith.constant 32 : index
        %get3A_429 = tpu.vector_load %arg6[%get3A_427, %get3A_428] {strides = array<i32>} : memref<128x64xf32, #tpu.memory_space<vmem>>, vector<16xf32>,
        %add3A_430 = arith.constant 3 : i32
        %add3A_431 = arith.addi %mul3A_355, %add3A_430 : i32
        %get3A_432 = arith.index_cast %add3A_431 : i32 to index
        %get3A_433 = arith.constant 48 : index
        %get3A_434 = tpu.vector_load %arg6[%get3A_432, %get3A_433] {strides = array<i32>} : memref<128x64xf32, #tpu.memory_space<vmem>>, vector<16xf32>,
        %broadcast_in_dim3A = arith.constant 0 : i32
        %broadcast_in_dim3A_435 = vector.broadcast %broadcast_in_dim3A : i32 to vector<16xi32>
        %add3A_436 = arith.constant 0 : i32
        %add3A_437 = arith.addi %mul3A_355, %add3A_436 : i32
        %add3A_438 = vector.broadcast %add3A_437 : i32 to vector<16xi32>
        %add3A_439 = arith.addi %broadcast_in_dim3A_435, %add3A_438 : vector<16xi32>
        tpu.vector_store_idx %arg8[%select_n3A, %rem3A_136, %add3A_439], %get3A_359 : memref<8x8x129xf32, #tpu.memory_space<vmem>>[vector<16xi32>, vector<16xi32>, vector<16xi32>], vector<16xf32>,
        tpu.vector_store_idx %arg8[%select_n3A_62, %rem3A_142, %add3A_439], %get3A_364 : memref<8x8x129xf32, #tpu.memory_space<vmem>>[vector<16xi32>, vector<16xi32>, vector<16xi32>], vector<16xf32>,
        tpu.vector_store_idx %arg8[%select_n3A_96, %rem3A_148, %add3A_439], %get3A_369 : memref<8x8x129xf32, #tpu.memory_space<vmem>>[vector<16xi32>, vector<16xi32>, vector<16xi32>], vector<16xf32>,
        tpu.vector_store_idx %arg8[%select_n3A_130, %rem3A_154, %add3A_439], %get3A_374 : memref<8x8x129xf32, #tpu.memory_space<vmem>>[vector<16xi32>, vector<16xi32>, vector<16xi32>], vector<16xf32>,
        %broadcast_in_dim3A_440 = arith.constant 0 : i32
        %broadcast_in_dim3A_441 = vector.broadcast %broadcast_in_dim3A_440 : i32 to vector<16xi32>
        %add3A_442 = arith.constant 1 : i32
        %add3A_443 = arith.addi %mul3A_355, %add3A_442 : i32
        %add3A_444 = vector.broadcast %add3A_443 : i32 to vector<16xi32>
        %add3A_445 = arith.addi %broadcast_in_dim3A_441, %add3A_444 : vector<16xi32>
        tpu.vector_store_idx %arg8[%select_n3A, %rem3A_136, %add3A_445], %get3A_379 : memref<8x8x129xf32, #tpu.memory_space<vmem>>[vector<16xi32>, vector<16xi32>, vector<16xi32>], vector<16xf32>,
        tpu.vector_store_idx %arg8[%select_n3A_62, %rem3A_142, %add3A_445], %get3A_384 : memref<8x8x129xf32, #tpu.memory_space<vmem>>[vector<16xi32>, vector<16xi32>, vector<16xi32>], vector<16xf32>,
        tpu.vector_store_idx %arg8[%select_n3A_96, %rem3A_148, %add3A_445], %get3A_389 : memref<8x8x129xf32, #tpu.memory_space<vmem>>[vector<16xi32>, vector<16xi32>, vector<16xi32>], vector<16xf32>,
        tpu.vector_store_idx %arg8[%select_n3A_130, %rem3A_154, %add3A_445], %get3A_394 : memref<8x8x129xf32, #tpu.memory_space<vmem>>[vector<16xi32>, vector<16xi32>, vector<16xi32>], vector<16xf32>,
        %broadcast_in_dim3A_446 = arith.constant 0 : i32
        %broadcast_in_dim3A_447 = vector.broadcast %broadcast_in_dim3A_446 : i32 to vector<16xi32>
        %add3A_448 = arith.constant 2 : i32
        %add3A_449 = arith.addi %mul3A_355, %add3A_448 : i32
        %add3A_450 = vector.broadcast %add3A_449 : i32 to vector<16xi32>
        %add3A_451 = arith.addi %broadcast_in_dim3A_447, %add3A_450 : vector<16xi32>
        tpu.vector_store_idx %arg8[%select_n3A, %rem3A_136, %add3A_451], %get3A_399 : memref<8x8x129xf32, #tpu.memory_space<vmem>>[vector<16xi32>, vector<16xi32>, vector<16xi32>], vector<16xf32>,
        tpu.vector_store_idx %arg8[%select_n3A_62, %rem3A_142, %add3A_451], %get3A_404 : memref<8x8x129xf32, #tpu.memory_space<vmem>>[vector<16xi32>, vector<16xi32>, vector<16xi32>], vector<16xf32>,
        tpu.vector_store_idx %arg8[%select_n3A_96, %rem3A_148, %add3A_451], %get3A_409 : memref<8x8x129xf32, #tpu.memory_space<vmem>>[vector<16xi32>, vector<16xi32>, vector<16xi32>], vector<16xf32>,
        tpu.vector_store_idx %arg8[%select_n3A_130, %rem3A_154, %add3A_451], %get3A_414 : memref<8x8x129xf32, #tpu.memory_space<vmem>>[vector<16xi32>, vector<16xi32>, vector<16xi32>], vector<16xf32>,
        %broadcast_in_dim3A_452 = arith.constant 0 : i32
        %broadcast_in_dim3A_453 = vector.broadcast %broadcast_in_dim3A_452 : i32 to vector<16xi32>
        %add3A_454 = arith.constant 3 : i32
        %add3A_455 = arith.addi %mul3A_355, %add3A_454 : i32
        %add3A_456 = vector.broadcast %add3A_455 : i32 to vector<16xi32>
        %add3A_457 = arith.addi %broadcast_in_dim3A_453, %add3A_456 : vector<16xi32>
        tpu.vector_store_idx %arg8[%select_n3A, %rem3A_136, %add3A_457], %get3A_419 : memref<8x8x129xf32, #tpu.memory_space<vmem>>[vector<16xi32>, vector<16xi32>, vector<16xi32>], vector<16xf32>,
        tpu.vector_store_idx %arg8[%select_n3A_62, %rem3A_142, %add3A_457], %get3A_424 : memref<8x8x129xf32, #tpu.memory_space<vmem>>[vector<16xi32>, vector<16xi32>, vector<16xi32>], vector<16xf32>,
        tpu.vector_store_idx %arg8[%select_n3A_96, %rem3A_148, %add3A_457], %get3A_429 : memref<8x8x129xf32, #tpu.memory_space<vmem>>[vector<16xi32>, vector<16xi32>, vector<16xi32>], vector<16xf32>,
        tpu.vector_store_idx %arg8[%select_n3A_130, %rem3A_154, %add3A_457], %get3A_434 : memref<8x8x129xf32, #tpu.memory_space<vmem>>[vector<16xi32>, vector<16xi32>, vector<16xi32>], vector<16xf32>,
      }
      %scan3A_234 = arith.constant 32 : i32
      %jit3A_235 = arith.constant 4 : i32
      %div3A_236 = arith.divsi %add3A_212, %jit3A_235 : i32
      %sign3A_237 = arith.constant 0 : i32
      %sign3A_238 = arith.cmpi sgt, %add3A_212, %sign3A_237 : i32
      %sign3A_239 = arith.extui %sign3A_238 : i1 to i32
      %sign3A_240 = arith.constant 0 : i32
      %sign3A_241 = arith.cmpi slt, %add3A_212, %sign3A_240 : i32
      %sign3A_242 = arith.extui %sign3A_241 : i1 to i32
      %sign3A_243 = arith.subi %sign3A_239, %sign3A_242 : i32
      %sign3A_244 = arith.constant 0 : i32
      %sign3A_245 = arith.cmpi sgt, %jit3A_235, %sign3A_244 : i32
      %sign3A_246 = arith.extui %sign3A_245 : i1 to i32
      %sign3A_247 = arith.constant 0 : i32
      %sign3A_248 = arith.cmpi slt, %jit3A_235, %sign3A_247 : i32
      %sign3A_249 = arith.extui %sign3A_248 : i1 to i32
      %sign3A_250 = arith.subi %sign3A_246, %sign3A_249 : i32
      %ne3A_251 = arith.cmpi ne, %sign3A_243, %sign3A_250 : i32
      %rem3A_252 = arith.remsi %add3A_212, %jit3A_235 : i32
      %ne3A_253 = arith.constant 0 : i32
      %ne3A_254 = arith.cmpi ne, %rem3A_252, %ne3A_253 : i32
      %and3A_255 = arith.andi %ne3A_251, %ne3A_254 : i1
      %sub3A_256 = arith.constant 1 : i32
      %sub3A_257 = arith.subi %div3A_236, %sub3A_256 : i32
      %select_n3A_258 = arith.select %and3A_255, %sub3A_257, %div3A_236 : i32
      %rem3A_259 = arith.constant 4 : i32
      %rem3A_260 = arith.remsi %add3A_212, %rem3A_259 : i32
      %add3A_261 = arith.addi %mul3A_2, %rem3A_260 : i32
      %dma_start3A_262 = arith.constant 0 : i32
      %dma_start3A_263 = arith.constant 0 : i32
      %dma_start3A_264 = arith.constant 0 : i32
      %dma_start3A_265 = tpu.memref_slice %arg8[%dma_start3A_262, %dma_start3A_263, %dma_start3A_264] : memref<8x8x129xf32, #tpu.memory_space<vmem>> -> memref<8x8x128xf32, #tpu.memory_space<vmem>>
      %dma_start3A_266 = arith.constant 0 : i32
      %dma_start3A_267 = arith.constant 0 : i32
      %dma_start3A_268 = arith.constant 0 : i32
      %dma_start3A_269 = tpu.memref_slice %arg4[%select_n3A_258, %dma_start3A_266, %add3A_261, %dma_start3A_267, %dma_start3A_268] : memref<26x8x128x8x128xf32, #tpu.memory_space<hbm>> -> memref<1x8x1x8x128xf32, #tpu.memory_space<hbm>>
      %dma_start3A_270 = tpu.memref_squeeze %dma_start3A_269 : memref<1x8x1x8x128xf32, #tpu.memory_space<hbm>> -> memref<8x8x128xf32, #tpu.memory_space<hbm>>
      %dma_start3A_271 = arith.constant 0 : i32
      %dma_start3A_272 = arith.constant 0 : i32
      %dma_start3A_273 = arith.constant 0 : i32
      %dma_start3A_274 = tpu.memref_slice %arg4[%select_n3A_258, %dma_start3A_271, %add3A_261, %dma_start3A_272, %dma_start3A_273] : memref<26x8x128x8x128xf32, #tpu.memory_space<hbm>> -> memref<1x8x1x8x128xf32, #tpu.memory_space<hbm>>
      %dma_start3A_275 = tpu.memref_squeeze %dma_start3A_274 : memref<1x8x1x8x128xf32, #tpu.memory_space<hbm>> -> memref<8x8x128xf32, #tpu.memory_space<hbm>>
      %dma_start3A_276 = arith.constant 0 : i32
      %dma_start3A_277 = arith.constant 0 : i32
      %dma_start3A_278 = arith.constant 0 : i32
      %dma_start3A_279 = tpu.memref_slice %arg8[%dma_start3A_276, %dma_start3A_277, %dma_start3A_278] : memref<8x8x129xf32, #tpu.memory_space<vmem>> -> memref<8x8x128xf32, #tpu.memory_space<vmem>>
      tpu.enqueue_dma source(%dma_start3A_279 : memref<8x8x128xf32, #tpu.memory_space<vmem>>) target(%dma_start3A_275 : memref<8x8x128xf32, #tpu.memory_space<hbm>>) target_semaphore(%arg11 : memref<!tpu.dma_semaphore, #tpu.memory_space<semaphore_mem>>)
      %add3A_280 = arith.constant 1 : i32
      %add3A_281 = arith.addi %mul3A_210, %add3A_280 : i32
      %add3A_282 = arith.constant 1 : i32
      %add3A_283 = arith.addi %add3A_281, %add3A_282 : i32
      %lt3A_284 = arith.constant 104 : i32
      %lt3A_285 = arith.cmpi slt, %add3A_283, %lt3A_284 : i32
      %convert_element_type3A_286 = arith.extui %lt3A_285 : i1 to i32
      %cond3A_287 = arith.constant 0 : i32
      %cond3A_288 = arith.cmpi ne, %convert_element_type3A_286, %cond3A_287 : i32
      scf.if %cond3A_288 {
        %add3A_353 = arith.constant 1 : i32
        %add3A_354 = arith.addi %add3A_281, %add3A_353 : i32
        %jit3A_355 = arith.constant 4 : i32
        %div3A_356 = arith.divsi %add3A_354, %jit3A_355 : i32
        %sign3A_357 = arith.constant 0 : i32
        %sign3A_358 = arith.cmpi sgt, %add3A_354, %sign3A_357 : i32
        %sign3A_359 = arith.extui %sign3A_358 : i1 to i32
        %sign3A_360 = arith.constant 0 : i32
        %sign3A_361 = arith.cmpi slt, %add3A_354, %sign3A_360 : i32
        %sign3A_362 = arith.extui %sign3A_361 : i1 to i32
        %sign3A_363 = arith.subi %sign3A_359, %sign3A_362 : i32
        %sign3A_364 = arith.constant 0 : i32
        %sign3A_365 = arith.cmpi sgt, %jit3A_355, %sign3A_364 : i32
        %sign3A_366 = arith.extui %sign3A_365 : i1 to i32
        %sign3A_367 = arith.constant 0 : i32
        %sign3A_368 = arith.cmpi slt, %jit3A_355, %sign3A_367 : i32
        %sign3A_369 = arith.extui %sign3A_368 : i1 to i32
        %sign3A_370 = arith.subi %sign3A_366, %sign3A_369 : i32
        %ne3A_371 = arith.cmpi ne, %sign3A_363, %sign3A_370 : i32
        %rem3A_372 = arith.remsi %add3A_354, %jit3A_355 : i32
        %ne3A_373 = arith.constant 0 : i32
        %ne3A_374 = arith.cmpi ne, %rem3A_372, %ne3A_373 : i32
        %and3A_375 = arith.andi %ne3A_371, %ne3A_374 : i1
        %sub3A_376 = arith.constant 1 : i32
        %sub3A_377 = arith.subi %div3A_356, %sub3A_376 : i32
        %select_n3A_378 = arith.select %and3A_375, %sub3A_377, %div3A_356 : i32
        %rem3A_379 = arith.constant 4 : i32
        %rem3A_380 = arith.remsi %add3A_354, %rem3A_379 : i32
        %dma_start3A_381 = arith.constant 0 : i32
        %dma_start3A_382 = tpu.memref_slice %arg5[%select_n3A_378, %rem3A_380, %dma_start3A_381] : memref<26x4x128xi32, #tpu.memory_space<vmem>> -> memref<1x1x128xi32, #tpu.memory_space<vmem>>
        %dma_start3A_383 = tpu.memref_squeeze %dma_start3A_382 : memref<1x1x128xi32, #tpu.memory_space<vmem>> -> memref<128xi32, #tpu.memory_space<vmem>>
        %dma_start3A_384 = arith.constant 0 : i32
        %dma_start3A_385 = arith.constant 0 : i32
        %dma_start3A_386 = tpu.memref_slice %arg3[%dma_start3A_384, %dma_start3A_385] : memref<1000000x64xf32, #tpu.memory_space<hbm>> -> memref<1000000x64xf32, #tpu.memory_space<hbm>>
        tpu.enqueue_indirect_dma source(%dma_start3A_386 : memref<1000000x64xf32, #tpu.memory_space<hbm>>) target(%arg6 : memref<128x64xf32, #tpu.memory_space<vmem>>) offsets(%dma_start3A_383 : memref<128xi32, #tpu.memory_space<vmem>>) semaphore(%arg10 : memref<!tpu.dma_semaphore, #tpu.memory_space<semaphore_mem>>)
      } else {
      }
      %dma_wait3A_289 = arith.constant 0 : i32
      %dma_wait3A_290 = arith.constant 0 : i32
      %dma_wait3A_291 = arith.constant 0 : i32
      %dma_wait3A_292 = tpu.memref_slice %arg5[%dma_wait3A_289, %dma_wait3A_290, %dma_wait3A_291] : memref<26x4x128xi32, #tpu.memory_space<vmem>> -> memref<1x1x128xi32, #tpu.memory_space<vmem>>
      %dma_wait3A_293 = tpu.memref_squeeze %dma_wait3A_292 : memref<1x1x128xi32, #tpu.memory_space<vmem>> -> memref<128xi32, #tpu.memory_space<vmem>>
      %dma_wait3A_294 = arith.constant 0 : i32
      %dma_wait3A_295 = arith.constant 0 : i32
      %dma_wait3A_296 = tpu.memref_slice %arg3[%dma_wait3A_294, %dma_wait3A_295] : memref<1000000x64xf32, #tpu.memory_space<hbm>> -> memref<1000000x64xf32, #tpu.memory_space<hbm>>
      tpu.wait_indirect_dma semaphore(%arg10 : memref<!tpu.dma_semaphore, #tpu.memory_space<semaphore_mem>>) src(%dma_wait3A_296 : memref<1000000x64xf32, #tpu.memory_space<hbm>>) dst(%arg7 : memref<128x64xf32, #tpu.memory_space<vmem>>)
      %ge3A_297 = arith.constant 2 : i32
      %ge3A_298 = arith.cmpi sge, %add3A_281, %ge3A_297 : i32
      %convert_element_type3A_299 = arith.extui %ge3A_298 : i1 to i32
      %cond3A_300 = arith.constant 0 : i32
      %cond3A_301 = arith.cmpi ne, %convert_element_type3A_299, %cond3A_300 : i32
      scf.if %cond3A_301 {
        %dma_wait3A_353 = arith.constant 0 : i32
        %dma_wait3A_354 = arith.constant 0 : i32
        %dma_wait3A_355 = arith.constant 0 : i32
        %dma_wait3A_356 = arith.constant 0 : i32
        %dma_wait3A_357 = arith.constant 0 : i32
        %dma_wait3A_358 = tpu.memref_slice %arg9[%dma_wait3A_355, %dma_wait3A_356, %dma_wait3A_357] : memref<8x8x129xf32, #tpu.memory_space<vmem>> -> memref<8x8x128xf32, #tpu.memory_space<vmem>>
        %dma_wait3A_359 = arith.constant 0 : i32
        %dma_wait3A_360 = arith.constant 0 : i32
        %dma_wait3A_361 = arith.constant 0 : i32
        %dma_wait3A_362 = tpu.memref_slice %arg4[%dma_wait3A_353, %dma_wait3A_359, %dma_wait3A_354, %dma_wait3A_360, %dma_wait3A_361] : memref<26x8x128x8x128xf32, #tpu.memory_space<hbm>> -> memref<1x8x1x8x128xf32, #tpu.memory_space<hbm>>
        %dma_wait3A_363 = tpu.memref_squeeze %dma_wait3A_362 : memref<1x8x1x8x128xf32, #tpu.memory_space<hbm>> -> memref<8x8x128xf32, #tpu.memory_space<hbm>>
        %dma_wait3A_364 = arith.constant 0 : i32
        %dma_wait3A_365 = arith.constant 0 : i32
        %dma_wait3A_366 = arith.constant 0 : i32
        %dma_wait3A_367 = tpu.memref_slice %arg4[%dma_wait3A_353, %dma_wait3A_364, %dma_wait3A_354, %dma_wait3A_365, %dma_wait3A_366] : memref<26x8x128x8x128xf32, #tpu.memory_space<hbm>> -> memref<1x8x1x8x128xf32, #tpu.memory_space<hbm>>
        %dma_wait3A_368 = tpu.memref_squeeze %dma_wait3A_367 : memref<1x8x1x8x128xf32, #tpu.memory_space<hbm>> -> memref<8x8x128xf32, #tpu.memory_space<hbm>>
        %dma_wait3A_369 = arith.constant 0 : i32
        %dma_wait3A_370 = arith.constant 0 : i32
        %dma_wait3A_371 = arith.constant 0 : i32
        %dma_wait3A_372 = tpu.memref_slice %arg9[%dma_wait3A_369, %dma_wait3A_370, %dma_wait3A_371] : memref<8x8x129xf32, #tpu.memory_space<vmem>> -> memref<8x8x128xf32, #tpu.memory_space<vmem>>
        tpu.wait_dma2 semaphore(%arg11 : memref<!tpu.dma_semaphore, #tpu.memory_space<semaphore_mem>>) src(%dma_wait3A_372 : memref<8x8x128xf32, #tpu.memory_space<vmem>>) dst(%dma_wait3A_368 : memref<8x8x128xf32, #tpu.memory_space<hbm>>)
      } else {
      }
      %scan3A_302 = arith.constant 0 : i32
      %scan3A_303 = arith.constant 0 : i32
      %scan3A_304 = arith.constant 32 : i32
      %scan3A_305 = arith.addi %scan3A_303, %scan3A_304 : i32
      %scan3A_306 = arith.constant 1 : i32
      scf.for %scan3A_353 = %scan3A_303 to %scan3A_305 step %scan3A_306  : i32 {
        %mul3A_354 = arith.constant 4 : i32
        %mul3A_355 = arith.muli %scan3A_353, %mul3A_354 : i32
        %add3A_356 = arith.constant 0 : i32
        %add3A_357 = arith.addi %mul3A_355, %add3A_356 : i32
        %get3A = arith.index_cast %add3A_357 : i32 to index
        %get3A_358 = arith.constant 0 : index
        %get3A_359 = tpu.vector_load %arg7[%get3A, %get3A_358] {strides = array<i32>} : memref<128x64xf32, #tpu.memory_space<vmem>>, vector<16xf32>,
        %add3A_360 = arith.constant 0 : i32
        %add3A_361 = arith.addi %mul3A_355, %add3A_360 : i32
        %get3A_362 = arith.index_cast %add3A_361 : i32 to index
        %get3A_363 = arith.constant 16 : index
        %get3A_364 = tpu.vector_load %arg7[%get3A_362, %get3A_363] {strides = array<i32>} : memref<128x64xf32, #tpu.memory_space<vmem>>, vector<16xf32>,
        %add3A_365 = arith.constant 0 : i32
        %add3A_366 = arith.addi %mul3A_355, %add3A_365 : i32
        %get3A_367 = arith.index_cast %add3A_366 : i32 to index
        %get3A_368 = arith.constant 32 : index
        %get3A_369 = tpu.vector_load %arg7[%get3A_367, %get3A_368] {strides = array<i32>} : memref<128x64xf32, #tpu.memory_space<vmem>>, vector<16xf32>,
        %add3A_370 = arith.constant 0 : i32
        %add3A_371 = arith.addi %mul3A_355, %add3A_370 : i32
        %get3A_372 = arith.index_cast %add3A_371 : i32 to index
        %get3A_373 = arith.constant 48 : index
        %get3A_374 = tpu.vector_load %arg7[%get3A_372, %get3A_373] {strides = array<i32>} : memref<128x64xf32, #tpu.memory_space<vmem>>, vector<16xf32>,
        %add3A_375 = arith.constant 1 : i32
        %add3A_376 = arith.addi %mul3A_355, %add3A_375 : i32
        %get3A_377 = arith.index_cast %add3A_376 : i32 to index
        %get3A_378 = arith.constant 0 : index
        %get3A_379 = tpu.vector_load %arg7[%get3A_377, %get3A_378] {strides = array<i32>} : memref<128x64xf32, #tpu.memory_space<vmem>>, vector<16xf32>,
        %add3A_380 = arith.constant 1 : i32
        %add3A_381 = arith.addi %mul3A_355, %add3A_380 : i32
        %get3A_382 = arith.index_cast %add3A_381 : i32 to index
        %get3A_383 = arith.constant 16 : index
        %get3A_384 = tpu.vector_load %arg7[%get3A_382, %get3A_383] {strides = array<i32>} : memref<128x64xf32, #tpu.memory_space<vmem>>, vector<16xf32>,
        %add3A_385 = arith.constant 1 : i32
        %add3A_386 = arith.addi %mul3A_355, %add3A_385 : i32
        %get3A_387 = arith.index_cast %add3A_386 : i32 to index
        %get3A_388 = arith.constant 32 : index
        %get3A_389 = tpu.vector_load %arg7[%get3A_387, %get3A_388] {strides = array<i32>} : memref<128x64xf32, #tpu.memory_space<vmem>>, vector<16xf32>,
        %add3A_390 = arith.constant 1 : i32
        %add3A_391 = arith.addi %mul3A_355, %add3A_390 : i32
        %get3A_392 = arith.index_cast %add3A_391 : i32 to index
        %get3A_393 = arith.constant 48 : index
        %get3A_394 = tpu.vector_load %arg7[%get3A_392, %get3A_393] {strides = array<i32>} : memref<128x64xf32, #tpu.memory_space<vmem>>, vector<16xf32>,
        %add3A_395 = arith.constant 2 : i32
        %add3A_396 = arith.addi %mul3A_355, %add3A_395 : i32
        %get3A_397 = arith.index_cast %add3A_396 : i32 to index
        %get3A_398 = arith.constant 0 : index
        %get3A_399 = tpu.vector_load %arg7[%get3A_397, %get3A_398] {strides = array<i32>} : memref<128x64xf32, #tpu.memory_space<vmem>>, vector<16xf32>,
        %add3A_400 = arith.constant 2 : i32
        %add3A_401 = arith.addi %mul3A_355, %add3A_400 : i32
        %get3A_402 = arith.index_cast %add3A_401 : i32 to index
        %get3A_403 = arith.constant 16 : index
        %get3A_404 = tpu.vector_load %arg7[%get3A_402, %get3A_403] {strides = array<i32>} : memref<128x64xf32, #tpu.memory_space<vmem>>, vector<16xf32>,
        %add3A_405 = arith.constant 2 : i32
        %add3A_406 = arith.addi %mul3A_355, %add3A_405 : i32
        %get3A_407 = arith.index_cast %add3A_406 : i32 to index
        %get3A_408 = arith.constant 32 : index
        %get3A_409 = tpu.vector_load %arg7[%get3A_407, %get3A_408] {strides = array<i32>} : memref<128x64xf32, #tpu.memory_space<vmem>>, vector<16xf32>,
        %add3A_410 = arith.constant 2 : i32
        %add3A_411 = arith.addi %mul3A_355, %add3A_410 : i32
        %get3A_412 = arith.index_cast %add3A_411 : i32 to index
        %get3A_413 = arith.constant 48 : index
        %get3A_414 = tpu.vector_load %arg7[%get3A_412, %get3A_413] {strides = array<i32>} : memref<128x64xf32, #tpu.memory_space<vmem>>, vector<16xf32>,
        %add3A_415 = arith.constant 3 : i32
        %add3A_416 = arith.addi %mul3A_355, %add3A_415 : i32
        %get3A_417 = arith.index_cast %add3A_416 : i32 to index
        %get3A_418 = arith.constant 0 : index
        %get3A_419 = tpu.vector_load %arg7[%get3A_417, %get3A_418] {strides = array<i32>} : memref<128x64xf32, #tpu.memory_space<vmem>>, vector<16xf32>,
        %add3A_420 = arith.constant 3 : i32
        %add3A_421 = arith.addi %mul3A_355, %add3A_420 : i32
        %get3A_422 = arith.index_cast %add3A_421 : i32 to index
        %get3A_423 = arith.constant 16 : index
        %get3A_424 = tpu.vector_load %arg7[%get3A_422, %get3A_423] {strides = array<i32>} : memref<128x64xf32, #tpu.memory_space<vmem>>, vector<16xf32>,
        %add3A_425 = arith.constant 3 : i32
        %add3A_426 = arith.addi %mul3A_355, %add3A_425 : i32
        %get3A_427 = arith.index_cast %add3A_426 : i32 to index
        %get3A_428 = arith.constant 32 : index
        %get3A_429 = tpu.vector_load %arg7[%get3A_427, %get3A_428] {strides = array<i32>} : memref<128x64xf32, #tpu.memory_space<vmem>>, vector<16xf32>,
        %add3A_430 = arith.constant 3 : i32
        %add3A_431 = arith.addi %mul3A_355, %add3A_430 : i32
        %get3A_432 = arith.index_cast %add3A_431 : i32 to index
        %get3A_433 = arith.constant 48 : index
        %get3A_434 = tpu.vector_load %arg7[%get3A_432, %get3A_433] {strides = array<i32>} : memref<128x64xf32, #tpu.memory_space<vmem>>, vector<16xf32>,
        %broadcast_in_dim3A = arith.constant 0 : i32
        %broadcast_in_dim3A_435 = vector.broadcast %broadcast_in_dim3A : i32 to vector<16xi32>
        %add3A_436 = arith.constant 0 : i32
        %add3A_437 = arith.addi %mul3A_355, %add3A_436 : i32
        %add3A_438 = vector.broadcast %add3A_437 : i32 to vector<16xi32>
        %add3A_439 = arith.addi %broadcast_in_dim3A_435, %add3A_438 : vector<16xi32>
        tpu.vector_store_idx %arg9[%select_n3A, %rem3A_136, %add3A_439], %get3A_359 : memref<8x8x129xf32, #tpu.memory_space<vmem>>[vector<16xi32>, vector<16xi32>, vector<16xi32>], vector<16xf32>,
        tpu.vector_store_idx %arg9[%select_n3A_62, %rem3A_142, %add3A_439], %get3A_364 : memref<8x8x129xf32, #tpu.memory_space<vmem>>[vector<16xi32>, vector<16xi32>, vector<16xi32>], vector<16xf32>,
        tpu.vector_store_idx %arg9[%select_n3A_96, %rem3A_148, %add3A_439], %get3A_369 : memref<8x8x129xf32, #tpu.memory_space<vmem>>[vector<16xi32>, vector<16xi32>, vector<16xi32>], vector<16xf32>,
        tpu.vector_store_idx %arg9[%select_n3A_130, %rem3A_154, %add3A_439], %get3A_374 : memref<8x8x129xf32, #tpu.memory_space<vmem>>[vector<16xi32>, vector<16xi32>, vector<16xi32>], vector<16xf32>,
        %broadcast_in_dim3A_440 = arith.constant 0 : i32
        %broadcast_in_dim3A_441 = vector.broadcast %broadcast_in_dim3A_440 : i32 to vector<16xi32>
        %add3A_442 = arith.constant 1 : i32
        %add3A_443 = arith.addi %mul3A_355, %add3A_442 : i32
        %add3A_444 = vector.broadcast %add3A_443 : i32 to vector<16xi32>
        %add3A_445 = arith.addi %broadcast_in_dim3A_441, %add3A_444 : vector<16xi32>
        tpu.vector_store_idx %arg9[%select_n3A, %rem3A_136, %add3A_445], %get3A_379 : memref<8x8x129xf32, #tpu.memory_space<vmem>>[vector<16xi32>, vector<16xi32>, vector<16xi32>], vector<16xf32>,
        tpu.vector_store_idx %arg9[%select_n3A_62, %rem3A_142, %add3A_445], %get3A_384 : memref<8x8x129xf32, #tpu.memory_space<vmem>>[vector<16xi32>, vector<16xi32>, vector<16xi32>], vector<16xf32>,
        tpu.vector_store_idx %arg9[%select_n3A_96, %rem3A_148, %add3A_445], %get3A_389 : memref<8x8x129xf32, #tpu.memory_space<vmem>>[vector<16xi32>, vector<16xi32>, vector<16xi32>], vector<16xf32>,
        tpu.vector_store_idx %arg9[%select_n3A_130, %rem3A_154, %add3A_445], %get3A_394 : memref<8x8x129xf32, #tpu.memory_space<vmem>>[vector<16xi32>, vector<16xi32>, vector<16xi32>], vector<16xf32>,
        %broadcast_in_dim3A_446 = arith.constant 0 : i32
        %broadcast_in_dim3A_447 = vector.broadcast %broadcast_in_dim3A_446 : i32 to vector<16xi32>
        %add3A_448 = arith.constant 2 : i32
        %add3A_449 = arith.addi %mul3A_355, %add3A_448 : i32
        %add3A_450 = vector.broadcast %add3A_449 : i32 to vector<16xi32>
        %add3A_451 = arith.addi %broadcast_in_dim3A_447, %add3A_450 : vector<16xi32>
        tpu.vector_store_idx %arg9[%select_n3A, %rem3A_136, %add3A_451], %get3A_399 : memref<8x8x129xf32, #tpu.memory_space<vmem>>[vector<16xi32>, vector<16xi32>, vector<16xi32>], vector<16xf32>,
        tpu.vector_store_idx %arg9[%select_n3A_62, %rem3A_142, %add3A_451], %get3A_404 : memref<8x8x129xf32, #tpu.memory_space<vmem>>[vector<16xi32>, vector<16xi32>, vector<16xi32>], vector<16xf32>,
        tpu.vector_store_idx %arg9[%select_n3A_96, %rem3A_148, %add3A_451], %get3A_409 : memref<8x8x129xf32, #tpu.memory_space<vmem>>[vector<16xi32>, vector<16xi32>, vector<16xi32>], vector<16xf32>,
        tpu.vector_store_idx %arg9[%select_n3A_130, %rem3A_154, %add3A_451], %get3A_414 : memref<8x8x129xf32, #tpu.memory_space<vmem>>[vector<16xi32>, vector<16xi32>, vector<16xi32>], vector<16xf32>,
        %broadcast_in_dim3A_452 = arith.constant 0 : i32
        %broadcast_in_dim3A_453 = vector.broadcast %broadcast_in_dim3A_452 : i32 to vector<16xi32>
        %add3A_454 = arith.constant 3 : i32
        %add3A_455 = arith.addi %mul3A_355, %add3A_454 : i32
        %add3A_456 = vector.broadcast %add3A_455 : i32 to vector<16xi32>
        %add3A_457 = arith.addi %broadcast_in_dim3A_453, %add3A_456 : vector<16xi32>
        tpu.vector_store_idx %arg9[%select_n3A, %rem3A_136, %add3A_457], %get3A_419 : memref<8x8x129xf32, #tpu.memory_space<vmem>>[vector<16xi32>, vector<16xi32>, vector<16xi32>], vector<16xf32>,
        tpu.vector_store_idx %arg9[%select_n3A_62, %rem3A_142, %add3A_457], %get3A_424 : memref<8x8x129xf32, #tpu.memory_space<vmem>>[vector<16xi32>, vector<16xi32>, vector<16xi32>], vector<16xf32>,
        tpu.vector_store_idx %arg9[%select_n3A_96, %rem3A_148, %add3A_457], %get3A_429 : memref<8x8x129xf32, #tpu.memory_space<vmem>>[vector<16xi32>, vector<16xi32>, vector<16xi32>], vector<16xf32>,
        tpu.vector_store_idx %arg9[%select_n3A_130, %rem3A_154, %add3A_457], %get3A_434 : memref<8x8x129xf32, #tpu.memory_space<vmem>>[vector<16xi32>, vector<16xi32>, vector<16xi32>], vector<16xf32>,
      }
      %scan3A_307 = arith.constant 32 : i32
      %jit3A_308 = arith.constant 4 : i32
      %div3A_309 = arith.divsi %add3A_281, %jit3A_308 : i32
      %sign3A_310 = arith.constant 0 : i32
      %sign3A_311 = arith.cmpi sgt, %add3A_281, %sign3A_310 : i32
      %sign3A_312 = arith.extui %sign3A_311 : i1 to i32
      %sign3A_313 = arith.constant 0 : i32
      %sign3A_314 = arith.cmpi slt, %add3A_281, %sign3A_313 : i32
      %sign3A_315 = arith.extui %sign3A_314 : i1 to i32
      %sign3A_316 = arith.subi %sign3A_312, %sign3A_315 : i32
      %sign3A_317 = arith.constant 0 : i32
      %sign3A_318 = arith.cmpi sgt, %jit3A_308, %sign3A_317 : i32
      %sign3A_319 = arith.extui %sign3A_318 : i1 to i32
      %sign3A_320 = arith.constant 0 : i32
      %sign3A_321 = arith.cmpi slt, %jit3A_308, %sign3A_320 : i32
      %sign3A_322 = arith.extui %sign3A_321 : i1 to i32
      %sign3A_323 = arith.subi %sign3A_319, %sign3A_322 : i32
      %ne3A_324 = arith.cmpi ne, %sign3A_316, %sign3A_323 : i32
      %rem3A_325 = arith.remsi %add3A_281, %jit3A_308 : i32
      %ne3A_326 = arith.constant 0 : i32
      %ne3A_327 = arith.cmpi ne, %rem3A_325, %ne3A_326 : i32
      %and3A_328 = arith.andi %ne3A_324, %ne3A_327 : i1
      %sub3A_329 = arith.constant 1 : i32
      %sub3A_330 = arith.subi %div3A_309, %sub3A_329 : i32
      %select_n3A_331 = arith.select %and3A_328, %sub3A_330, %div3A_309 : i32
      %rem3A_332 = arith.constant 4 : i32
      %rem3A_333 = arith.remsi %add3A_281, %rem3A_332 : i32
      %add3A_334 = arith.addi %mul3A_2, %rem3A_333 : i32
      %dma_start3A_335 = arith.constant 0 : i32
      %dma_start3A_336 = arith.constant 0 : i32
      %dma_start3A_337 = arith.constant 0 : i32
      %dma_start3A_338 = tpu.memref_slice %arg9[%dma_start3A_335, %dma_start3A_336, %dma_start3A_337] : memref<8x8x129xf32, #tpu.memory_space<vmem>> -> memref<8x8x128xf32, #tpu.memory_space<vmem>>
      %dma_start3A_339 = arith.constant 0 : i32
      %dma_start3A_340 = arith.constant 0 : i32
      %dma_start3A_341 = arith.constant 0 : i32
      %dma_start3A_342 = tpu.memref_slice %arg4[%select_n3A_331, %dma_start3A_339, %add3A_334, %dma_start3A_340, %dma_start3A_341] : memref<26x8x128x8x128xf32, #tpu.memory_space<hbm>> -> memref<1x8x1x8x128xf32, #tpu.memory_space<hbm>>
      %dma_start3A_343 = tpu.memref_squeeze %dma_start3A_342 : memref<1x8x1x8x128xf32, #tpu.memory_space<hbm>> -> memref<8x8x128xf32, #tpu.memory_space<hbm>>
      %dma_start3A_344 = arith.constant 0 : i32
      %dma_start3A_345 = arith.constant 0 : i32
      %dma_start3A_346 = arith.constant 0 : i32
      %dma_start3A_347 = tpu.memref_slice %arg4[%select_n3A_331, %dma_start3A_344, %add3A_334, %dma_start3A_345, %dma_start3A_346] : memref<26x8x128x8x128xf32, #tpu.memory_space<hbm>> -> memref<1x8x1x8x128xf32, #tpu.memory_space<hbm>>
      %dma_start3A_348 = tpu.memref_squeeze %dma_start3A_347 : memref<1x8x1x8x128xf32, #tpu.memory_space<hbm>> -> memref<8x8x128xf32, #tpu.memory_space<hbm>>
      %dma_start3A_349 = arith.constant 0 : i32
      %dma_start3A_350 = arith.constant 0 : i32
      %dma_start3A_351 = arith.constant 0 : i32
      %dma_start3A_352 = tpu.memref_slice %arg9[%dma_start3A_349, %dma_start3A_350, %dma_start3A_351] : memref<8x8x129xf32, #tpu.memory_space<vmem>> -> memref<8x8x128xf32, #tpu.memory_space<vmem>>
      tpu.enqueue_dma source(%dma_start3A_352 : memref<8x8x128xf32, #tpu.memory_space<vmem>>) target(%dma_start3A_348 : memref<8x8x128xf32, #tpu.memory_space<hbm>>) target_semaphore(%arg11 : memref<!tpu.dma_semaphore, #tpu.memory_space<semaphore_mem>>)
    }
    %scan3A_168 = arith.constant 52 : i32
    %dma_wait3A = arith.constant 0 : i32
    %dma_wait3A_169 = arith.constant 0 : i32
    %dma_wait3A_170 = arith.constant 0 : i32
    %dma_wait3A_171 = arith.constant 0 : i32
    %dma_wait3A_172 = arith.constant 0 : i32
    %dma_wait3A_173 = tpu.memref_slice %arg8[%dma_wait3A_170, %dma_wait3A_171, %dma_wait3A_172] : memref<8x8x129xf32, #tpu.memory_space<vmem>> -> memref<8x8x128xf32, #tpu.memory_space<vmem>>
    %dma_wait3A_174 = arith.constant 0 : i32
    %dma_wait3A_175 = arith.constant 0 : i32
    %dma_wait3A_176 = arith.constant 0 : i32
    %dma_wait3A_177 = tpu.memref_slice %arg4[%dma_wait3A, %dma_wait3A_174, %dma_wait3A_169, %dma_wait3A_175, %dma_wait3A_176] : memref<26x8x128x8x128xf32, #tpu.memory_space<hbm>> -> memref<1x8x1x8x128xf32, #tpu.memory_space<hbm>>
    %dma_wait3A_178 = tpu.memref_squeeze %dma_wait3A_177 : memref<1x8x1x8x128xf32, #tpu.memory_space<hbm>> -> memref<8x8x128xf32, #tpu.memory_space<hbm>>
    %dma_wait3A_179 = arith.constant 0 : i32
    %dma_wait3A_180 = arith.constant 0 : i32
    %dma_wait3A_181 = arith.constant 0 : i32
    %dma_wait3A_182 = tpu.memref_slice %arg4[%dma_wait3A, %dma_wait3A_179, %dma_wait3A_169, %dma_wait3A_180, %dma_wait3A_181] : memref<26x8x128x8x128xf32, #tpu.memory_space<hbm>> -> memref<1x8x1x8x128xf32, #tpu.memory_space<hbm>>
    %dma_wait3A_183 = tpu.memref_squeeze %dma_wait3A_182 : memref<1x8x1x8x128xf32, #tpu.memory_space<hbm>> -> memref<8x8x128xf32, #tpu.memory_space<hbm>>
    %dma_wait3A_184 = arith.constant 0 : i32
    %dma_wait3A_185 = arith.constant 0 : i32
    %dma_wait3A_186 = arith.constant 0 : i32
    %dma_wait3A_187 = tpu.memref_slice %arg8[%dma_wait3A_184, %dma_wait3A_185, %dma_wait3A_186] : memref<8x8x129xf32, #tpu.memory_space<vmem>> -> memref<8x8x128xf32, #tpu.memory_space<vmem>>
    tpu.wait_dma2 semaphore(%arg11 : memref<!tpu.dma_semaphore, #tpu.memory_space<semaphore_mem>>) src(%dma_wait3A_187 : memref<8x8x128xf32, #tpu.memory_space<vmem>>) dst(%dma_wait3A_183 : memref<8x8x128xf32, #tpu.memory_space<hbm>>)
    %dma_wait3A_188 = arith.constant 0 : i32
    %dma_wait3A_189 = arith.constant 0 : i32
    %dma_wait3A_190 = arith.constant 0 : i32
    %dma_wait3A_191 = arith.constant 0 : i32
    %dma_wait3A_192 = arith.constant 0 : i32
    %dma_wait3A_193 = tpu.memref_slice %arg9[%dma_wait3A_190, %dma_wait3A_191, %dma_wait3A_192] : memref<8x8x129xf32, #tpu.memory_space<vmem>> -> memref<8x8x128xf32, #tpu.memory_space<vmem>>
    %dma_wait3A_194 = arith.constant 0 : i32
    %dma_wait3A_195 = arith.constant 0 : i32
    %dma_wait3A_196 = arith.constant 0 : i32
    %dma_wait3A_197 = tpu.memref_slice %arg4[%dma_wait3A_188, %dma_wait3A_194, %dma_wait3A_189, %dma_wait3A_195, %dma_wait3A_196] : memref<26x8x128x8x128xf32, #tpu.memory_space<hbm>> -> memref<1x8x1x8x128xf32, #tpu.memory_space<hbm>>
    %dma_wait3A_198 = tpu.memref_squeeze %dma_wait3A_197 : memref<1x8x1x8x128xf32, #tpu.memory_space<hbm>> -> memref<8x8x128xf32, #tpu.memory_space<hbm>>
    %dma_wait3A_199 = arith.constant 0 : i32
    %dma_wait3A_200 = arith.constant 0 : i32
    %dma_wait3A_201 = arith.constant 0 : i32
    %dma_wait3A_202 = tpu.memref_slice %arg4[%dma_wait3A_188, %dma_wait3A_199, %dma_wait3A_189, %dma_wait3A_200, %dma_wait3A_201] : memref<26x8x128x8x128xf32, #tpu.memory_space<hbm>> -> memref<1x8x1x8x128xf32, #tpu.memory_space<hbm>>
    %dma_wait3A_203 = tpu.memref_squeeze %dma_wait3A_202 : memref<1x8x1x8x128xf32, #tpu.memory_space<hbm>> -> memref<8x8x128xf32, #tpu.memory_space<hbm>>
    %dma_wait3A_204 = arith.constant 0 : i32
    %dma_wait3A_205 = arith.constant 0 : i32
    %dma_wait3A_206 = arith.constant 0 : i32
    %dma_wait3A_207 = tpu.memref_slice %arg9[%dma_wait3A_204, %dma_wait3A_205, %dma_wait3A_206] : memref<8x8x129xf32, #tpu.memory_space<vmem>> -> memref<8x8x128xf32, #tpu.memory_space<vmem>>
    tpu.wait_dma2 semaphore(%arg11 : memref<!tpu.dma_semaphore, #tpu.memory_space<semaphore_mem>>) src(%dma_wait3A_207 : memref<8x8x128xf32, #tpu.memory_space<vmem>>) dst(%dma_wait3A_203 : memref<8x8x128xf32, #tpu.memory_space<hbm>>)
    return
  }
}

</mosaic_0001>

<sc_bundles>
// kernel: kernel.3.cloned.1.call-start
scs
__scs_entry_jumppad:
0x0: {  	(pc) =	sbr.rel $0x88, $3  }
0x1: {  	(tag) =	ssettag $0x0;
	lr =	simm.s32 $0x1  }
0x2: {  	[smem:$0x3F9F] =	sst lr;
	_ =	strace $0xD0000000  }
0x3: {  	_ = 	snop  }
0x4: {  	_ = 	snop  }
0x5: {  	_ = 	snop  }
0x6: {  	_ = 	snop  }
0x7: {  	_ = 	snop  }
__scs_overlays_trampoline_lowered:
0x8: {  	[smem:$0x3FAE] =	sst s0  }
0x9: {  	[smem:$0x3FAF] =	sst s1  }
0xa: {  	[smem:$0x3FB0] =	sst s2  }
0xb: {  	[smem:$0x3FB1] =	sst s3  }
0xc: {  	[smem:$0x3FB2] =	sst s4  }
0xd: {  	[smem:$0x3FB3] =	sst s5  }
0xe: {  	[smem:$0x3FB4] =	sst s6  }
0xf: {  	[smem:$0x3FB5] =	sst s7  }
0x10: {  	[smem:$0x3FB6] =	sst s8  }
0x11: {  	[smem:$0x3FB7] =	sst s9;
	s0 =	simm.s32 @!p0 $0x0  }
0x12: {  	s1 =	sld [smem:$0x3F9D];
	s0 =	simm.s32 @p0 $0x1  }
0x13: {  	[smem:$0x3FB8] =	sst s0;
	s0 =	simm.s32 @!p1 $0x0  }
0x14: {  	s2 =	sld [smem:$0x3F9C];
	s0 =	simm.s32 @p1 $0x1  }
0x15: {  	[smem:$0x3FB9] =	sst s0;
	s0 =	simm.s32 @!p2 $0x0  }
0x16: {  	s3 =	sld [smem:$0x3FDB];
	s0 =	simm.s32 @p2 $0x1  }
0x17: {  	s4 =	simm.s32 $0x1BF5;
	[smem:$0x3FBB] =	sst s0  }
0x18: {  	s0 =	sld [smem:$0x3F9E];
	_ =	swait.ge [sflag:s4], $0x0  }
0x19: {  	s7 =	sld [smem:$0x3F9F]  }
0x1a: {  	s8 =	sadd.s32 $0xFFFFE003, lr  }
0x1b: {  	s9 =	sadd.s32 $0xFFFFFEF7, lr;
	s5 =	simm.s32 $0xFFFFFFFF;
	p2 =	slt.u32 s8, $0xFFFFF086  }
0x1c: {  	p1 =	slt.u32 s9, $0xF7A;
	s5 =	simm.s32 @!p2 $0x0  }
0x1d: {  	s5 =	simm.s32 @p1 $0x1;
	p0 =	seq.s32 s7, s2  }
0x1e: {  	s7 =	smul.u32 @!p0 $0xF7A, s2;
	p2 =	seq.s32 @!p0 s5, $0x0  }
0x1f: {  	s9 =	smul.u32 $0xF7A, s1;
	s8 =	simm.s32 @!p0 $0x1BF5;
	p2 =	por !p2, p0  }
0x20: {  	[sflag:s8] =	ssyncset.s32 @!p0 $0xFFFFF086;
	s6 =	sadd.s32 @!p0 s3, s7;
	s7 =	simm.s32 @!p0 $0x108  }
0x21: {  	s3 =	sadd.s32 s3, s9;
	s6 =	sadd.s32 @!p0 $0x88, s6;
	s7 =	simm.s32 @p2 $0x1082  }
0x22: {  	[simem:s7], [sflag:s8] =	dma.local @!p0 [hbm:s6], $0xF7A  }
0x23: {  	s9 =	sor.u32 $0xD0000000, s2;
	s6 =	simm.s32 $0x108;
	_ =	swait.ge @!p0 [sflag:s8], $0x0  }
0x24: {  	s3 =	sadd.s32 $0x88, s3;
	s6 =	simm.s32 @!p1 $0x1082;
	[sflag:s4] =	ssyncset.s32 $0xFFFFF086  }
0x25: {  	[simem:s6], [sflag:s4] =	dma.local [hbm:s3], $0xF7A  }
0x26: {  	[smem:$0x3F9F] =	sst s1;
	(tag) =	ssettag s2;
	_ =	strace s9  }
0x27: {  	s1 =	sld [smem:$0x3FAF]  }
0x28: {  	s2 =	sld [smem:$0x3FB0]  }
0x29: {  	s4 =	sld [smem:$0x3FB2]  }
0x2a: {  	p0 =	seq.s32 s5, $0x0;
	s5 =	sld [smem:$0x3FB3]  }
0x2b: {  	s6 =	sld [smem:$0x3FB4]  }
0x2c: {  	s7 =	sld [smem:$0x3FB5]  }
0x2d: {  	s3 =	simm.s32 $0x108;
	s8 =	sld [smem:$0x3FB6]  }
0x2e: {  	s3 =	simm.s32 @!p0 $0x1082;
	s9 =	sld [smem:$0x3FB7]  }
0x2f: {  	lr =	sadd.s32 s0, s3;
	s0 =	sld [smem:$0x3FAE]  }
0x30: {  	s3 =	sld [smem:$0x3FB1]  }
0x31: {  	[smem:$0x3FBA] =	sst s10  }
0x32: {  	s10 =	sld [smem:$0x3FB8];
	_ =	sdelay $0x3  }
0x33: {  	p0 =	seq.s32 s10, $0x1;
	s10 =	sld [smem:$0x3FBA];
	_ =	sdelay $0x3  }
0x34: {  	[smem:$0x3FBA] =	sst s10  }
0x35: {  	s10 =	sld [smem:$0x3FB9];
	_ =	sdelay $0x3  }
0x36: {  	p1 =	seq.s32 s10, $0x1;
	s10 =	sld [smem:$0x3FBA];
	_ =	sdelay $0x3  }
0x37: {  	[smem:$0x3FBA] =	sst s10  }
0x38: {  	s10 =	sld [smem:$0x3FBB]  }
0x39: {  	_ = 	snop;
	(pc) =	sbr.ind lr, $3  }
0x3a: {  	_ = 	snop  }
0x3b: {  	_ = 	snop  }
0x3c: {  	p2 =	seq.s32 s10, $0x1;
	s10 =	sld [smem:$0x3FBA]  }
0x3d: {  	_ =	shalt  }
0x3e: {  	_ =	shalt  }
0x3f: {  	_ =	shalt  }
0x40: {  	_ =	shalt  }
0x41: {  	_ =	shalt  }
0x42: {  	_ =	shalt  }
0x43: {  	_ =	shalt  }
0x44: {  	_ =	shalt  }
0x45: {  	_ =	shalt  }
0x46: {  	_ =	shalt  }
0x47: {  	_ =	shalt  }
0x48: {  	_ =	shalt  }
0x49: {  	_ =	shalt  }
0x4a: {  	_ =	shalt  }
0x4b: {  	_ =	shalt  }
0x4c: {  	_ =	shalt  }
0x4d: {  	_ =	shalt  }
0x4e: {  	_ =	shalt  }
0x4f: {  	_ =	shalt  }
0x50: {  	_ =	shalt  }
0x51: {  	_ =	shalt  }
0x52: {  	_ =	shalt  }
0x53: {  	_ =	shalt  }
0x54: {  	_ =	shalt  }
0x55: {  	_ =	shalt  }
0x56: {  	_ =	shalt  }
0x57: {  	_ =	shalt  }
0x58: {  	_ =	shalt  }
0x59: {  	_ =	shalt  }
0x5a: {  	_ =	shalt  }
0x5b: {  	_ =	shalt  }
0x5c: {  	_ =	shalt  }
0x5d: {  	_ =	shalt  }
0x5e: {  	_ =	shalt  }
0x5f: {  	_ =	shalt  }
0x60: {  	_ =	shalt  }
0x61: {  	_ =	shalt  }
0x62: {  	_ =	shalt  }
0x63: {  	_ =	shalt  }
0x64: {  	_ =	shalt  }
0x65: {  	_ =	shalt  }
0x66: {  	_ =	shalt  }
0x67: {  	_ =	shalt  }
0x68: {  	_ =	shalt  }
0x69: {  	_ =	shalt  }
0x6a: {  	_ =	shalt  }
0x6b: {  	_ =	shalt  }
0x6c: {  	_ =	shalt  }
0x6d: {  	_ =	shalt  }
0x6e: {  	_ =	shalt  }
0x6f: {  	_ =	shalt  }
0x70: {  	_ =	shalt  }
0x71: {  	_ =	shalt  }
0x72: {  	_ =	shalt  }
0x73: {  	_ =	shalt  }
0x74: {  	_ =	shalt  }
0x75: {  	_ =	shalt  }
0x76: {  	_ =	shalt  }
0x77: {  	_ =	shalt  }
0x78: {  	_ =	shalt  }
0x79: {  	_ =	shalt  }
0x7a: {  	_ =	shalt  }
0x7b: {  	_ =	shalt  }
0x7c: {  	_ =	shalt  }
0x7d: {  	_ =	shalt  }
0x7e: {  	_ =	shalt  }
0x7f: {  	_ =	shalt  }
0x80: {  	_ =	shalt  }
0x81: {  	_ =	shalt  }
0x82: {  	_ =	shalt  }
0x83: {  	_ =	shalt  }
0x84: {  	_ =	shalt  }
0x85: {  	_ =	shalt  }
0x86: {  	_ =	shalt  }
0x87: {  	_ =	shalt  }
.Lfunc_end0:
.L_simem_size_0:
called_computation_lowered:
.L_overlay_start_0:
0x88: {  	s2 =	sld [smem:$0x3FD9]  }
0x89: {  	s3 =	sld [smem:$0x3FFE];
	_ =	sdelay $0x1  }
0x8a: {  	s1 =	srdreg.scid  }
0x8b: {  	s0 =	sand.u32 $0x1, s1  }
0x8c: {  	s17 =	sshll.u32 s0, $0xA;
	s2 =	sadd.s32 s3, s2  }
0x8d: {  	s2 =	sadd.s32 s2, s17  }
0x8e: {  	[smem:$0x3FC6] =	sst s2  }
0x8f: {  	_ = 	snop  }
0x90: {  	s2 =	sld [smem:$0x3FD0];
	(tm) =	ssettm $0x1  }
0x91: {  	s18 =	sld [smem:$0x3FFB];
	_ =	sdelay $0x3  }
0x92: {  	_ =	strace s18  }
0x93: {  	s3 =	sld [smem:$0x3FFC];
	_ =	sdelay $0x3  }
0x94: {  	_ =	strace s3  }
0x95: {  	s3 =	sld [smem:$0x3FFD];
	_ =	sdelay $0x3  }
0x96: {  	_ =	strace s3  }
0x97: {  	_ =	strace $0x8FFFFFFF  }
0x98: {  	s19 =	sld [smem:$0x3FDB];
	_ =	sdelay $0x1  }
0x99: {  	s4 =	simm.s32 $_scs_section_size  }
0x9a: {  	s5 =	simm.s32 $_size__tile_overlayer_lowered;
	s6 =	simm.s32 $_tile_overlayer_lowered  }
0x9b: {  	s22 =	simm.s32 $0x1BFF;
	s21 =	sshll.u32 s6, $0x1;
	s3 =	sadd.s32 s4, s19  }
0x9c: {  	s7 =	simm.s32 $0x0;
	s20 =	sshll.u32 s5, $0x1;
	s5 =	sadd.s32 s21, s3  }
0x9d: {  	[timem:s7], [sflag:s22] =	dma.local [hbm:s5], s20  }
0x9e: {  	_ =	swait.ge [sflag:s22], s20  }
0x9f: {  	s4 =	ssub.s32 $0x0, s20;
	[sflag:s22] =	ssyncset.done $0x0  }
0xa0: {  	[sflag:s22] =	ssyncadd.s32 s4;
	_ =	sdelay $0x1  }
0xa1: {  	s23 =	simm.s32 $0x1B8B  }
0xa2: {  	_ =	swait.ge [sflag:s23], $0x1  }
0xa3: {  	[sflag:s23] =	ssyncset.done $0x0  }
0xa4: {  	s25 =	simm.s32 $0x1B8E;
	s24 =	sld [smem:$0x3FFE];
	[sflag:s23] =	ssyncadd.s32 $0xFFFFFFFF  }
0xa5: {  	s26 =	simm.s32 $execute0_lowered;
	[smem:$0x3FD2] =	sst s25  }
0xa6: {  	s5 =	sshll.u32 s26, $0x1;
	_ =	strace $0x80000046;
	[dreg:$0x1] =	wrdreg $0xFFFFFFFF  }
0xa7: {  	s28 =	simm.s32 $_size_execute0_lowered;
	s3 =	sadd.s32 s3, s5;
	[dreg:$0x0] =	wrdreg $0x0  }
0xa8: {  	s5 =	sshll.u32 s28, $0x1;
	[dreg:$0x2] =	wrdreg s3  }
0xa9: {  	[dreg:$0x3] =	wrdreg s5  }
0xaa: {  	[dreg:$0x4] =	wrdreg $0xC0  }
0xab: {  	_ =	task [dreg:s7], $0x5FFFF  }
0xac: {  	[dreg:$0x1] =	wrdreg $0xFFFFFFFF  }
0xad: {  	[dreg:$0x0] =	wrdreg $0x60  }
0xae: {  	[dreg:$0x2] =	wrdreg s24  }
0xaf: {  	[dreg:$0x3] =	wrdreg s2  }
0xb0: {  	[dreg:$0x4] =	wrdreg $0x9  }
0xb1: {  	_ =	task.clear_ibuf [dreg:s7], $0x5FFFF;
	_ =	strace $0x90000046  }
0xb2: {  	s29 =	simm.s32 $0x9;
	_ =	strace $0x80000048  }
0xb3: {  	_ =	swait.ge [sflag:s29], $0x1  }
0xb4: {  	[sflag:s29] =	ssyncadd.s32 $0xFFFFFFFF  }
0xb5: {  	_ =	strace $0x90000048  }
0xb6: {  	_ =	sfence  }
0xb7: {  	s30 =	sld [smem:$0x0];
	_ =	sdelay $0x2  }
0xb8: {  	s31 =	sshll.u32 s1, $0xD;
	s1 =	sshrl.u32 s1, $0x2  }
0xb9: {  	s3 =	sand.u32 $0x4000, s31;
	s1 =	sadd.s32 s1, s30  }
0xba: {  	s0 =	sor.u32 s3, s0;
	s1 =	sshll.u32 s1, $0x11  }
0xbb: {  	s0 =	sor.u32 s1, s0  }
0xbc: {  	s0 =	sadd.s32 $0x8F2B, s0  }
0xbd: {  	[sflag:s0] =	ssyncadd.remote.s32 $0x1  }
0xbe: {  	_ =	sfence.sel $0xFFFF  }
0xbf: {  	[dreg:$0x0] =	wrdreg $0xFFFFFFFF;
	(pc) =	sbr.abs _section_cstart, $3  }
0xc0: {  	[dreg:$0x1] =	wrdreg $0xFFFFFFFF  }
0xc1: {  	_ =	task.clear_ibuf [dreg:s7], $0x2FFFF;
	_ =	strace $0x9FFFFFFF  }
0xc2: {  	(tm) =	ssettm $0x7FFFFFFF  }
0xc3: {  	_ =	shalt  }
tec
execute0_lowered:
.L_overlay_start_1:
0x0: {  	(tag) =	ssettag $0x1  }
0x1: {  	s1 =	srdreg.scid;
	s5 =	rddreg [dreg:$0x0]  }
0x2: {  	s0 =	stileid.u32;
	s2 =	rddreg [dreg:$0x1]  }
0x3: {  	s3 =	simm.s32 $0x0;
	s9 =	simm.s32 $0x4000;
	s10 =	simm.s32 $0x3  }
0x4: {  	s11 =	simm.s32 $0x80;
	s12 =	simm.s32 $0x3400;
	s13 =	simm.s32 $0x5400  }
0x5: {  	s14 =	simm.s32 $0x1;
	s15 =	simm.s32 $0x7400;
	s16 =	simm.s32 $0x2  }
0x6: {  	s17 =	simm.s32 $0x9600;
	s18 =	simm.s32 $0x0;
	s6 =	sand.u32 $0x1, s1  }
0x7: {  	s4 =	sshll.u32 s0, $0x3;
	s1 =	rddreg [dreg:$0x2];
	s7 =	sshll.u32 s6, $0x2  }
0x8: {  	v0 =	vlaneseq.u32;
	[smem:$0x7FF] =	sst s3;
	s6 =	ssub.s32 $0x2, s6;
	s4 =	sor.u32 s7, s4  }
0x9: {  	v0 =	vmul.u32 $0x88, v0;
	_ =	strace $0x80000047;
	s8 =	sshrl.u32 s6, $0x1;
	s7 =	sshll.u32 s4, $0x4  }
0xa: {  	s8 =	ssub.s32 s6, s8;
	s7 =	sadd.s32 s7, s5;
	s5 =	sadd.s32 $0xF42A00, s5  }
0xb: {  	v1 =	vadd.s32 $0x880, v0;
	v2 =	vadd.s32 $0x1100, v0;
	v3 =	vadd.s32 $0x1980, v0;
	s6 =	sadd.s32 $0x600, s7;
	s7 =	smax.u32 s8, $0x1;
	s8 =	simm.s32 $0x200  }
.LBB2_1:
0xc: {  	[tilespmem:s3], [sflag:$0x3] =	stream.strided.gather [hbm4b:s6+s8], $0x3400, s9, s8, $0x38;
	[tilespmem:$0xB800] =	vst v63  }
0xd: {  	_ =	swait.ge [sflag:s10], $0x3400  }
0xe: {  	[sflag:s10] =	ssyncset.done $0x0  }
0xf: {  	s19 =	simm.s32 $0x0;
	[sflag:s10] =	ssyncadd.s32 $0xFFFFCC00  }
0x10: {  	[tilespmem:s12], [sflag:$0x1] =	stream.indirect.gather [hbm4b:s5+s11], $0x40, s3, s11, $0xb8;
	[tilespmem:$0xB800] =	vst v63  }
.LBB2_2:
0x11: {  	s20 =	sshllo.u32 s19, $0x1  }
0x12: {  	s21 =	sshll.u32 s19, $0x8;
	s22 =	sshll.u32 s20, $0x7  }
0x13: {  	s21 =	sand.u32 $0x3E00, s21;
	s22 =	sand.u32 $0x180, s22  }
0x14: {  	s21 =	sor.u32 s22, s21  }
0x15: {  	[tilespmem:s13], [sflag:$0x1] =	stream.indirect.gather [hbm4b:s5+s11], $0x40, s21, s11, $0xb8;
	[tilespmem:$0xB800] =	vst v63  }
0x16: {  	_ =	swait.ge [sflag:s14], $0x2000  }
0x17: {  	p0 =	seq.s32 s19, $0x0;
	[sflag:s14] =	ssyncset.done $0x0  }
0x18: {  	s21 =	simm.s32 @!p0 $0x2;
	[sflag:s14] =	ssyncadd.s32 $0xFFFFE000  }
0x19: {  	_ =	swait.ge @!p0 [sflag:s21], $0x2000  }
0x1a: {  	[sflag:s21] =	ssyncset.done @!p0 $0x0  }
0x1b: {  	[sflag:s21] =	ssyncadd.s32 @!p0 $0xFFFFE000;
	s21 =	simm.s32 $0x3480  }
0x1c: {  	v4 =	vld [tilespmem:s21+$0x70]  }
0x1d: {  	v6 =	vld [tilespmem:s21+$0x60]  }
0x1e: {  	v5 =	vld [tilespmem:s21+$0x50]  }
0x1f: {  	v7 =	vld [tilespmem:s21+$0x40]  }
0x20: {  	v8 =	vld [tilespmem:s21+$0x30]  }
0x21: {  	v9 =	vld [tilespmem:s21+$0x20]  }
0x22: {  	v10 =	vld [tilespmem:s21+$0x10]  }
0x23: {  	s28 =	simm.s32 $0x0;
	v11 =	vld [tilespmem:s21+$0x0]  }
0x24: {  	v14 =	vmov s28;
	v12 =	vld [tilespmem:s21+$0xFFFFFFF0]  }
0x25: {  	v14 =	vand.u32 $0x7C, v14;
	v13 =	vld [tilespmem:s21+$0xFFFFFFE0]  }
0x26: {  	v17 =	vadd.s32 v0, v14;
	v16 =	vld [tilespmem:s21+$0xFFFFFF80]  }
0x27: {  	s29 =	simm.s32 $0x1;
	v19 =	vadd.s32 v1, v14;
	v18 =	vld [tilespmem:s21+$0xFFFFFF90]  }
0x28: {  	v22 =	vmov s29;
	v21 =	vadd.s32 v2, v14;
	v20 =	vld [tilespmem:s21+$0xFFFFFFA0]  }
0x29: {  	v22 =	vand.u32 $0x7D, v22;
	v14 =	vadd.s32 v3, v14;
	v23 =	vld [tilespmem:s21+$0xFFFFFFB0]  }
0x2a: {  	v25 =	vadd.s32 v0, v22;
	v24 =	vld [tilespmem:s21+$0xFFFFFFC0]  }
0x2b: {  	s30 =	simm.s32 $0x2;
	v52 =	vadd.s32 v1, v22;
	v15 =	vld [tilespmem:s21+$0xFFFFFFD0];
	[tilespmem:v17+s15+$0x0] =	vst.idx.msk $0xffff, v16  }
0x2c: {  	v54 =	vmov s30;
	v53 =	vadd.s32 v2, v22;
	[tilespmem:v19+s15+$0x0] =	vst.idx.msk $0xffff, v18  }
0x2d: {  	v55 =	vadd.s32 v3, v22;
	v18 =	vand.u32 $0x7E, v54;
	[tilespmem:v21+s15+$0x0] =	vst.idx.msk $0xffff, v20  }
0x2e: {  	v56 =	vadd.s32 v0, v18;
	[tilespmem:v14+s15+$0x0] =	vst.idx.msk $0xffff, v23  }
0x2f: {  	s31 =	simm.s32 $0x3;
	v57 =	vadd.s32 v1, v18;
	[tilespmem:v25+s15+$0x0] =	vst.idx.msk $0xffff, v24  }
0x30: {  	v59 =	vmov s31;
	v58 =	vadd.s32 v2, v18;
	[tilespmem:v52+s15+$0x0] =	vst.idx.msk $0xffff, v15  }
0x31: {  	v16 =	vand.u32 $0x7F, v59;
	v60 =	vadd.s32 v3, v18;
	[tilespmem:v53+s15+$0x0] =	vst.idx.msk $0xffff, v13  }
0x32: {  	v61 =	vadd.s32 v0, v16;
	[tilespmem:v55+s15+$0x0] =	vst.idx.msk $0xffff, v12  }
0x33: {  	v62 =	vadd.s32 v1, v16;
	[tilespmem:v56+s15+$0x0] =	vst.idx.msk $0xffff, v11  }
0x34: {  	[tilespmem:v57+s15+$0x0] =	vst.idx.msk $0xffff, v10  }
0x35: {  	[tilespmem:v58+s15+$0x0] =	vst.idx.msk $0xffff, v9  }
0x36: {  	v63 =	vadd.s32 v2, v16;
	[tilespmem:v60+s15+$0x0] =	vst.idx.msk $0xffff, v8  }
0x37: {  	[tilespmem:v61+s15+$0x0] =	vst.idx.msk $0xffff, v7  }
0x38: {  	[tilespmem:v62+s15+$0x0] =	vst.idx.msk $0xffff, v5;
	v5 =	vadd.s32 v3, v16;
	_ =	sdelay $0x2  }
0x39: {  	s23 =	sshll.u32 s19, $0x1;
	s24 =	simm.s32 $0x4;
	s22 =	sshll.u32 s19, $0xA;
	[tilespmem:v63+s15+$0x0] =	vst.idx.msk $0xffff, v6  }
.LBB2_3:
0x3a: {  	p1 =	sne.s32 s24, $0x7C  }
0x3b: {  	[tilespmem:v5+s15+$0x0] =	vst.idx.msk $0xffff, v4;
	s21 =	sadd.s32 $0x100, s21;
	s25 =	smov.u32 s24;
	s24 =	sadd.s32 $0x4, s24  }
0x3c: {  	v4 =	vld [tilespmem:s21+$0x70]  }
0x3d: {  	v6 =	vld [tilespmem:s21+$0x60]  }
0x3e: {  	v7 =	vld [tilespmem:s21+$0x50]  }
0x3f: {  	v8 =	vld [tilespmem:s21+$0x40]  }
0x40: {  	v9 =	vld [tilespmem:s21+$0x30]  }
0x41: {  	v5 =	vld [tilespmem:s21+$0x20]  }
0x42: {  	v10 =	vld [tilespmem:s21+$0x10]  }
0x43: {  	v11 =	vld [tilespmem:s21+$0x0]  }
0x44: {  	v12 =	vld [tilespmem:s21+$0xFFFFFFF0]  }
0x45: {  	v14 =	vmov s25;
	v13 =	vld [tilespmem:s21+$0xFFFFFFE0]  }
0x46: {  	v14 =	vand.u32 $0x7C, v14;
	v15 =	vld [tilespmem:s21+$0xFFFFFFD0]  }
0x47: {  	v17 =	vadd.s32 v0, v14;
	v16 =	vld [tilespmem:s21+$0xFFFFFF80]  }
0x48: {  	s26 =	sadd.s32 $0x1, s25;
	v19 =	vadd.s32 v1, v14;
	v18 =	vld [tilespmem:s21+$0xFFFFFF90]  }
0x49: {  	v22 =	vmov s26;
	v21 =	vadd.s32 v2, v14;
	v20 =	vld [tilespmem:s21+$0xFFFFFFA0]  }
0x4a: {  	v14 =	vadd.s32 v3, v14;
	v22 =	vand.u32 $0x7D, v22;
	v23 =	vld [tilespmem:s21+$0xFFFFFFB0]  }
0x4b: {  	v25 =	vadd.s32 v0, v22;
	v24 =	vld [tilespmem:s21+$0xFFFFFFC0]  }
0x4c: {  	s26 =	sadd.s32 $0x2, s25;
	[tilespmem:v17+s15+$0x0] =	vst.idx.msk $0xffff, v16;
	v16 =	vadd.s32 v1, v22  }
0x4d: {  	v17 =	vadd.s32 v2, v22;
	[tilespmem:v19+s15+$0x0] =	vst.idx.msk $0xffff, v18;
	v18 =	vmov s26  }
0x4e: {  	v19 =	vadd.s32 v3, v22;
	[tilespmem:v21+s15+$0x0] =	vst.idx.msk $0xffff, v20;
	v18 =	vand.u32 $0x7E, v18  }
0x4f: {  	[tilespmem:v14+s15+$0x0] =	vst.idx.msk $0xffff, v23;
	v14 =	vadd.s32 v0, v18  }
0x50: {  	s25 =	sadd.s32 $0x3, s25;
	v20 =	vadd.s32 v1, v18;
	[tilespmem:v25+s15+$0x0] =	vst.idx.msk $0xffff, v24  }
0x51: {  	[tilespmem:v16+s15+$0x0] =	vst.idx.msk $0xffff, v15;
	v15 =	vadd.s32 v2, v18;
	v16 =	vmov s25  }
0x52: {  	[tilespmem:v17+s15+$0x0] =	vst.idx.msk $0xffff, v13;
	v13 =	vadd.s32 v3, v18;
	v16 =	vand.u32 $0x7F, v16  }
0x53: {  	[tilespmem:v19+s15+$0x0] =	vst.idx.msk $0xffff, v12;
	v12 =	vadd.s32 v0, v16  }
0x54: {  	[tilespmem:v14+s15+$0x0] =	vst.idx.msk $0xffff, v11;
	v11 =	vadd.s32 v1, v16  }
0x55: {  	[tilespmem:v20+s15+$0x0] =	vst.idx.msk $0xffff, v10;
	v10 =	vadd.s32 v2, v16  }
.Ltmp0:
0x56: {  	[tilespmem:v15+s15+$0x0] =	vst.idx.msk $0xffff, v5;
	v5 =	vadd.s32 v3, v16;
	(pc) =	sbr.rel @p1 .LBB2_3-.Ltmp0, $4  }
0x57: {  	[tilespmem:v13+s15+$0x0] =	vst.idx.msk $0xffff, v9  }
0x58: {  	[tilespmem:v12+s15+$0x0] =	vst.idx.msk $0xffff, v8  }
0x59: {  	[tilespmem:v11+s15+$0x0] =	vst.idx.msk $0xffff, v7  }
0x5a: {  	[tilespmem:v10+s15+$0x0] =	vst.idx.msk $0xffff, v6  }
0x5b: {  	_ = 	snop  }
0x5c: {  	s21 =	sshll.u32 s19, $0x10;
	s23 =	sand.u32 $0x2, s23  }
0x5d: {  	s21 =	sand.u32 $0x3E0000, s21;
	s23 =	sor.u32 s4, s23  }
0x5e: {  	s23 =	sshll.u32 s23, $0x7;
	s21 =	sadd.s32 s2, s21  }
0x5f: {  	[tilespmem:v5+s15+$0x0] =	vst.idx.msk $0xffff, v4;
	s26 =	simm.s32 $0x7400;
	s24 =	sadd.s32 s23, s21  }
0x60: {  	[hbm4b:s24+s3] =	stream.linear.scatter [tilespmem:s26], [sflag:$0x2], $0x80, $0x38;
	[tilespmem:$0xB800] =	vst v63  }
0x61: {  	s29 =	simm.s32 $0x7488;
	s25 =	sadd.s32 $0x10, s24  }
0x62: {  	[hbm4b:s25+s3] =	stream.linear.scatter [tilespmem:s29], [sflag:$0x2], $0x80, $0x38;
	[tilespmem:$0xB800] =	vst v63  }
0x63: {  	s30 =	simm.s32 $0x7510;
	s23 =	simm.s32 $0x440;
	s31 =	sadd.s32 $0x20, s24  }
0x64: {  	[hbm4b:s31+s3] =	stream.linear.scatter [tilespmem:s30], [sflag:$0x2], $0x80, $0x38;
	[tilespmem:$0xB800] =	vst v63  }
0x65: {  	s26 =	simm.s32 $0x7598;
	s28 =	sadd.s32 $0x70, s24;
	s29 =	sadd.s32 $0x30, s24  }
0x66: {  	[hbm4b:s29+s3] =	stream.linear.scatter [tilespmem:s26], [sflag:$0x2], $0x80, $0x38;
	[tilespmem:$0xB800] =	vst v63  }
0x67: {  	s25 =	simm.s32 $0x2200;
	s30 =	simm.s32 $0x7620;
	s31 =	sadd.s32 $0x40, s24  }
0x68: {  	[hbm4b:s31+s3] =	stream.linear.scatter [tilespmem:s30], [sflag:$0x2], $0x80, $0x38;
	[tilespmem:$0xB800] =	vst v63  }
0x69: {  	s26 =	simm.s32 $0x76A8;
	s29 =	sadd.s32 $0x50, s24;
	s30 =	simm.s32 $0x7730  }
0x6a: {  	[hbm4b:s29+s3] =	stream.linear.scatter [tilespmem:s26], [sflag:$0x2], $0x80, $0x38;
	[tilespmem:$0xB800] =	vst v63  }
0x6b: {  	s31 =	sadd.s32 $0x60, s24;
	s24 =	sadd.s32 $0x4000, s24;
	s26 =	simm.s32 $0x77B8  }
0x6c: {  	[hbm4b:s31+s3] =	stream.linear.scatter [tilespmem:s30], [sflag:$0x2], $0x80, $0x38;
	[tilespmem:$0xB800] =	vst v63  }
.LBB2_5:
0x6d: {  	[hbm4b:s28+s3] =	stream.linear.scatter [tilespmem:s26], [sflag:$0x2], $0x80, $0x38;
	[tilespmem:$0xB800] =	vst v63  }
0x6e: {  	s26 =	smov.u32 s23;
	s23 =	smov.u32 s25  }
0x6f: {  	s29 =	sadd.s32 $0x1100, s25;
	s23 =	sshra.s32 s23, $0x2;
	s28 =	sadd.s32 $0x7400, s26  }
0x70: {  	[hbm4b:s24+s3] =	stream.linear.scatter [tilespmem:s28], [sflag:$0x2], $0x80, $0x38;
	[tilespmem:$0xB800] =	vst v63  }
0x71: {  	p1 =	sne.s32 s25, $0x7700;
	s25 =	sadd.s32 $0x7488, s26;
	s28 =	sadd.s32 $0x10, s24  }
0x72: {  	[hbm4b:s28+s3] =	stream.linear.scatter [tilespmem:s25], [sflag:$0x2], $0x80, $0x38;
	[tilespmem:$0xB800] =	vst v63  }
0x73: {  	s25 =	sadd.s32 $0x7510, s26;
	s28 =	sadd.s32 $0x20, s24  }
0x74: {  	[hbm4b:s28+s3] =	stream.linear.scatter [tilespmem:s25], [sflag:$0x2], $0x80, $0x38;
	[tilespmem:$0xB800] =	vst v63  }
0x75: {  	s25 =	sadd.s32 $0x7598, s26;
	s28 =	sadd.s32 $0x30, s24  }
0x76: {  	[hbm4b:s28+s3] =	stream.linear.scatter [tilespmem:s25], [sflag:$0x2], $0x80, $0x38;
	[tilespmem:$0xB800] =	vst v63  }
0x77: {  	s25 =	sadd.s32 $0x7620, s26;
	s28 =	sadd.s32 $0x40, s24  }
0x78: {  	[hbm4b:s28+s3] =	stream.linear.scatter [tilespmem:s25], [sflag:$0x2], $0x80, $0x38;
	[tilespmem:$0xB800] =	vst v63  }
.Ltmp1:
0x79: {  	s25 =	sadd.s32 $0x76A8, s26;
	s28 =	sadd.s32 $0x50, s24;
	(pc) =	sbr.rel @p1 .LBB2_5-.Ltmp1, $4  }
0x7a: {  	[hbm4b:s28+s3] =	stream.linear.scatter [tilespmem:s25], [sflag:$0x2], $0x80, $0x38;
	[tilespmem:$0xB800] =	vst v63  }
0x7b: {  	s25 =	sadd.s32 $0x7730, s26;
	s28 =	sadd.s32 $0x60, s24;
	s26 =	sadd.s32 $0x77B8, s26  }
0x7c: {  	[hbm4b:s28+s3] =	stream.linear.scatter [tilespmem:s25], [sflag:$0x2], $0x80, $0x38;
	[tilespmem:$0xB800] =	vst v63  }
0x7d: {  	s28 =	sadd.s32 $0x70, s24;
	s24 =	sadd.s32 $0x4000, s24;
	s25 =	smov.u32 s29  }
0x7e: {  	[hbm4b:s28+s3] =	stream.linear.scatter [tilespmem:s26], [sflag:$0x2], $0x80, $0x38;
	[tilespmem:$0xB800] =	vst v63  }
0x7f: {  	s25 =	sadd.s32 $0x7400, s23  }
0x80: {  	[hbm4b:s24+s3] =	stream.linear.scatter [tilespmem:s25], [sflag:$0x2], $0x80, $0x38;
	[tilespmem:$0xB800] =	vst v63  }
0x81: {  	s30 =	sadd.s32 $0x7488, s23;
	s31 =	sadd.s32 $0x10, s24  }
0x82: {  	[hbm4b:s31+s3] =	stream.linear.scatter [tilespmem:s30], [sflag:$0x2], $0x80, $0x38;
	[tilespmem:$0xB800] =	vst v63  }
0x83: {  	s28 =	sadd.s32 $0x7510, s23;
	s29 =	sadd.s32 $0x20, s24  }
0x84: {  	[hbm4b:s29+s3] =	stream.linear.scatter [tilespmem:s28], [sflag:$0x2], $0x80, $0x38;
	[tilespmem:$0xB800] =	vst v63  }
0x85: {  	s30 =	sadd.s32 $0x7598, s23;
	s31 =	sadd.s32 $0x30, s24  }
0x86: {  	[hbm4b:s31+s3] =	stream.linear.scatter [tilespmem:s30], [sflag:$0x2], $0x80, $0x38;
	[tilespmem:$0xB800] =	vst v63  }
0x87: {  	s28 =	sadd.s32 $0x7620, s23;
	s29 =	sadd.s32 $0x40, s24  }
0x88: {  	[hbm4b:s29+s3] =	stream.linear.scatter [tilespmem:s28], [sflag:$0x2], $0x80, $0x38;
	[tilespmem:$0xB800] =	vst v63  }
0x89: {  	p1 =	sne.s32 s19, $0x33;
	s30 =	sadd.s32 $0x76A8, s23;
	s31 =	sadd.s32 $0x50, s24  }
0x8a: {  	[hbm4b:s31+s3] =	stream.linear.scatter [tilespmem:s30], [sflag:$0x2], $0x80, $0x38;
	[tilespmem:$0xB800] =	vst v63  }
.Ltmp2:
0x8b: {  	_ = 	snop;
	(pc) =	sbr.rel @p1 .LBB2_8-.Ltmp2, $4  }
0x8c: {  	s28 =	sadd.s32 $0x7730, s23;
	s29 =	sadd.s32 $0x60, s24  }
0x8d: {  	[hbm4b:s29+s3] =	stream.linear.scatter [tilespmem:s28], [sflag:$0x2], $0x80, $0x38;
	[tilespmem:$0xB800] =	vst v63  }
0x8e: {  	s30 =	sadd.s32 $0x77B8, s23;
	s31 =	sadd.s32 $0x70, s24  }
0x8f: {  	[hbm4b:s31+s3] =	stream.linear.scatter [tilespmem:s30], [sflag:$0x2], $0x80, $0x38;
	[tilespmem:$0xB800] =	vst v63  }
.Ltmp3:
0x90: {  	(pc) =	sbr.rel .LBB2_9-.Ltmp3, $4  }
0x91: {  	_ = 	snop  }
0x92: {  	_ =	swait.ge [sflag:s14], $0x2000  }
0x93: {  	[sflag:s14] =	ssyncset.done $0x0  }
0x94: {  	[sflag:s14] =	ssyncadd.s32 $0xFFFFE000  }
.LBB2_8:
0x95: {  	s22 =	sadd.s32 $0x400, s22  }
0x96: {  	s22 =	sand.u32 $0x1FC00, s22  }
.Ltmp4:
0x97: {  	s22 =	sshrl.u32 s22, $0x2;
	(pc) =	sbr.rel @p0 .LBB2_10-.Ltmp4, $4  }
0x98: {  	[tilespmem:s12], [sflag:$0x1] =	stream.indirect.gather [hbm4b:s5+s11], $0x40, s22, s11, $0xb8;
	[tilespmem:$0xB800] =	vst v63  }
0x99: {  	_ =	swait.ge [sflag:s14], $0x2000  }
0x9a: {  	[sflag:s14] =	ssyncset.done $0x0  }
0x9b: {  	[sflag:s14] =	ssyncadd.s32 $0xFFFFE000  }
.LBB2_9:
0x9c: {  	_ =	swait.ge [sflag:s16], $0x2000  }
0x9d: {  	[sflag:s16] =	ssyncset.done $0x0  }
0x9e: {  	[sflag:s16] =	ssyncadd.s32 $0xFFFFE000  }
.LBB2_10:
0x9f: {  	s22 =	simm.s32 $0x5480  }
0xa0: {  	v4 =	vld [tilespmem:s22+$0x70]  }
0xa1: {  	v6 =	vld [tilespmem:s22+$0x60]  }
0xa2: {  	v5 =	vld [tilespmem:s22+$0x50]  }
0xa3: {  	v7 =	vld [tilespmem:s22+$0x40]  }
0xa4: {  	v8 =	vld [tilespmem:s22+$0x30]  }
0xa5: {  	v9 =	vld [tilespmem:s22+$0x20]  }
0xa6: {  	v10 =	vld [tilespmem:s22+$0x10]  }
0xa7: {  	s23 =	simm.s32 $0x0;
	v11 =	vld [tilespmem:s22+$0x0]  }
0xa8: {  	v12 =	vld [tilespmem:s22+$0xFFFFFFF0];
	v14 =	vmov s23  }
0xa9: {  	v13 =	vld [tilespmem:s22+$0xFFFFFFE0];
	v14 =	vand.u32 $0x7C, v14  }
0xaa: {  	v16 =	vld [tilespmem:s22+$0xFFFFFF80];
	v17 =	vadd.s32 v0, v14  }
0xab: {  	s29 =	simm.s32 $0x1;
	v18 =	vld [tilespmem:s22+$0xFFFFFF90];
	v19 =	vadd.s32 v1, v14  }
0xac: {  	v20 =	vld [tilespmem:s22+$0xFFFFFFA0];
	v22 =	vmov s29;
	v21 =	vadd.s32 v2, v14  }
0xad: {  	v23 =	vld [tilespmem:s22+$0xFFFFFFB0];
	v22 =	vand.u32 $0x7D, v22;
	v14 =	vadd.s32 v3, v14  }
0xae: {  	v24 =	vld [tilespmem:s22+$0xFFFFFFC0];
	v25 =	vadd.s32 v0, v22  }
0xaf: {  	s30 =	simm.s32 $0x2;
	v15 =	vld [tilespmem:s22+$0xFFFFFFD0];
	v52 =	vadd.s32 v1, v22;
	[tilespmem:v17+s17+$0x0] =	vst.idx.msk $0xffff, v16  }
0xb0: {  	v54 =	vmov s30;
	v53 =	vadd.s32 v2, v22;
	[tilespmem:v19+s17+$0x0] =	vst.idx.msk $0xffff, v18  }
0xb1: {  	v55 =	vadd.s32 v3, v22;
	v18 =	vand.u32 $0x7E, v54;
	[tilespmem:v21+s17+$0x0] =	vst.idx.msk $0xffff, v20  }
0xb2: {  	v56 =	vadd.s32 v0, v18;
	[tilespmem:v14+s17+$0x0] =	vst.idx.msk $0xffff, v23  }
0xb3: {  	s31 =	simm.s32 $0x3;
	v57 =	vadd.s32 v1, v18;
	[tilespmem:v25+s17+$0x0] =	vst.idx.msk $0xffff, v24  }
0xb4: {  	v59 =	vmov s31;
	v58 =	vadd.s32 v2, v18;
	[tilespmem:v52+s17+$0x0] =	vst.idx.msk $0xffff, v15  }
0xb5: {  	v16 =	vand.u32 $0x7F, v59;
	v60 =	vadd.s32 v3, v18;
	[tilespmem:v53+s17+$0x0] =	vst.idx.msk $0xffff, v13  }
0xb6: {  	v61 =	vadd.s32 v0, v16;
	[tilespmem:v55+s17+$0x0] =	vst.idx.msk $0xffff, v12  }
0xb7: {  	v62 =	vadd.s32 v1, v16;
	[tilespmem:v56+s17+$0x0] =	vst.idx.msk $0xffff, v11  }
0xb8: {  	[tilespmem:v57+s17+$0x0] =	vst.idx.msk $0xffff, v10  }
0xb9: {  	[tilespmem:v58+s17+$0x0] =	vst.idx.msk $0xffff, v9  }
0xba: {  	v63 =	vadd.s32 v2, v16;
	[tilespmem:v60+s17+$0x0] =	vst.idx.msk $0xffff, v8  }
0xbb: {  	[tilespmem:v61+s17+$0x0] =	vst.idx.msk $0xffff, v7  }
0xbc: {  	[tilespmem:v62+s17+$0x0] =	vst.idx.msk $0xffff, v5;
	v5 =	vadd.s32 v3, v16;
	_ =	sdelay $0x2  }
0xbd: {  	s23 =	simm.s32 $0x4;
	[tilespmem:v63+s17+$0x0] =	vst.idx.msk $0xffff, v6  }
.LBB2_11:
0xbe: {  	p0 =	sne.s32 s23, $0x7C  }
0xbf: {  	[tilespmem:v5+s17+$0x0] =	vst.idx.msk $0xffff, v4;
	s22 =	sadd.s32 $0x100, s22;
	s24 =	smov.u32 s23;
	s23 =	sadd.s32 $0x4, s23  }
0xc0: {  	v4 =	vld [tilespmem:s22+$0x70]  }
0xc1: {  	v6 =	vld [tilespmem:s22+$0x60]  }
0xc2: {  	v7 =	vld [tilespmem:s22+$0x50]  }
0xc3: {  	v8 =	vld [tilespmem:s22+$0x40]  }
0xc4: {  	v9 =	vld [tilespmem:s22+$0x30]  }
0xc5: {  	v5 =	vld [tilespmem:s22+$0x20]  }
0xc6: {  	v10 =	vld [tilespmem:s22+$0x10]  }
0xc7: {  	v11 =	vld [tilespmem:s22+$0x0]  }
0xc8: {  	v12 =	vld [tilespmem:s22+$0xFFFFFFF0]  }
0xc9: {  	v14 =	vmov s24;
	v13 =	vld [tilespmem:s22+$0xFFFFFFE0]  }
0xca: {  	v14 =	vand.u32 $0x7C, v14;
	v15 =	vld [tilespmem:s22+$0xFFFFFFD0]  }
0xcb: {  	v17 =	vadd.s32 v0, v14;
	v16 =	vld [tilespmem:s22+$0xFFFFFF80]  }
0xcc: {  	s25 =	sadd.s32 $0x1, s24;
	v19 =	vadd.s32 v1, v14;
	v18 =	vld [tilespmem:s22+$0xFFFFFF90]  }
0xcd: {  	v22 =	vmov s25;
	v21 =	vadd.s32 v2, v14;
	v20 =	vld [tilespmem:s22+$0xFFFFFFA0]  }
0xce: {  	v14 =	vadd.s32 v3, v14;
	v22 =	vand.u32 $0x7D, v22;
	v23 =	vld [tilespmem:s22+$0xFFFFFFB0]  }
0xcf: {  	v25 =	vadd.s32 v0, v22;
	v24 =	vld [tilespmem:s22+$0xFFFFFFC0]  }
0xd0: {  	s25 =	sadd.s32 $0x2, s24;
	[tilespmem:v17+s17+$0x0] =	vst.idx.msk $0xffff, v16;
	v16 =	vadd.s32 v1, v22  }
0xd1: {  	v17 =	vadd.s32 v2, v22;
	[tilespmem:v19+s17+$0x0] =	vst.idx.msk $0xffff, v18;
	v18 =	vmov s25  }
0xd2: {  	v19 =	vadd.s32 v3, v22;
	[tilespmem:v21+s17+$0x0] =	vst.idx.msk $0xffff, v20;
	v18 =	vand.u32 $0x7E, v18  }
0xd3: {  	[tilespmem:v14+s17+$0x0] =	vst.idx.msk $0xffff, v23;
	v14 =	vadd.s32 v0, v18  }
0xd4: {  	s24 =	sadd.s32 $0x3, s24;
	v20 =	vadd.s32 v1, v18;
	[tilespmem:v25+s17+$0x0] =	vst.idx.msk $0xffff, v24  }
0xd5: {  	[tilespmem:v16+s17+$0x0] =	vst.idx.msk $0xffff, v15;
	v15 =	vadd.s32 v2, v18;
	v16 =	vmov s24  }
0xd6: {  	[tilespmem:v17+s17+$0x0] =	vst.idx.msk $0xffff, v13;
	v13 =	vadd.s32 v3, v18;
	v16 =	vand.u32 $0x7F, v16  }
0xd7: {  	[tilespmem:v19+s17+$0x0] =	vst.idx.msk $0xffff, v12;
	v12 =	vadd.s32 v0, v16  }
0xd8: {  	[tilespmem:v14+s17+$0x0] =	vst.idx.msk $0xffff, v11;
	v11 =	vadd.s32 v1, v16  }
0xd9: {  	[tilespmem:v20+s17+$0x0] =	vst.idx.msk $0xffff, v10;
	v10 =	vadd.s32 v2, v16  }
.Ltmp5:
0xda: {  	[tilespmem:v15+s17+$0x0] =	vst.idx.msk $0xffff, v5;
	v5 =	vadd.s32 v3, v16;
	(pc) =	sbr.rel @p0 .LBB2_11-.Ltmp5, $4  }
0xdb: {  	[tilespmem:v13+s17+$0x0] =	vst.idx.msk $0xffff, v9  }
0xdc: {  	[tilespmem:v12+s17+$0x0] =	vst.idx.msk $0xffff, v8  }
0xdd: {  	[tilespmem:v11+s17+$0x0] =	vst.idx.msk $0xffff, v7  }
0xde: {  	[tilespmem:v10+s17+$0x0] =	vst.idx.msk $0xffff, v6  }
0xdf: {  	_ = 	snop  }
0xe0: {  	s20 =	sand.u32 $0x3, s20  }
0xe1: {  	s20 =	sor.u32 s4, s20  }
0xe2: {  	s20 =	sshll.u32 s20, $0x7  }
0xe3: {  	[tilespmem:v5+s17+$0x0] =	vst.idx.msk $0xffff, v4;
	s28 =	simm.s32 $0x9600;
	s21 =	sadd.s32 s20, s21  }
0xe4: {  	[hbm4b:s21+s3] =	stream.linear.scatter [tilespmem:s28], [sflag:$0x2], $0x80, $0x38;
	[tilespmem:$0xB800] =	vst v63  }
0xe5: {  	s29 =	simm.s32 $0x9688;
	s22 =	sadd.s32 $0x10, s21  }
0xe6: {  	[hbm4b:s22+s3] =	stream.linear.scatter [tilespmem:s29], [sflag:$0x2], $0x80, $0x38;
	[tilespmem:$0xB800] =	vst v63  }
0xe7: {  	s30 =	simm.s32 $0x9710;
	s23 =	simm.s32 $0x9798;
	s31 =	sadd.s32 $0x20, s21  }
0xe8: {  	[hbm4b:s31+s3] =	stream.linear.scatter [tilespmem:s30], [sflag:$0x2], $0x80, $0x38;
	[tilespmem:$0xB800] =	vst v63  }
0xe9: {  	s25 =	simm.s32 $0x9820;
	s20 =	simm.s32 $0x440;
	s24 =	sadd.s32 $0x30, s21  }
0xea: {  	[hbm4b:s24+s3] =	stream.linear.scatter [tilespmem:s23], [sflag:$0x2], $0x80, $0x38;
	[tilespmem:$0xB800] =	vst v63  }
0xeb: {  	s26 =	sadd.s32 $0x40, s21;
	s28 =	simm.s32 $0x98A8;
	s29 =	sadd.s32 $0x50, s21  }
0xec: {  	[hbm4b:s26+s3] =	stream.linear.scatter [tilespmem:s25], [sflag:$0x2], $0x80, $0x38;
	[tilespmem:$0xB800] =	vst v63  }
0xed: {  	s22 =	simm.s32 $0x2200;
	s30 =	simm.s32 $0x9930;
	s31 =	sadd.s32 $0x60, s21  }
0xee: {  	[hbm4b:s29+s3] =	stream.linear.scatter [tilespmem:s28], [sflag:$0x2], $0x80, $0x38;
	[tilespmem:$0xB800] =	vst v63  }
0xef: {  	s23 =	simm.s32 $0x99B8;
	s24 =	sadd.s32 $0x70, s21;
	s21 =	sadd.s32 $0x4000, s21  }
0xf0: {  	[hbm4b:s31+s3] =	stream.linear.scatter [tilespmem:s30], [sflag:$0x2], $0x80, $0x38;
	[tilespmem:$0xB800] =	vst v63  }
.LBB2_13:
0xf1: {  	[hbm4b:s24+s3] =	stream.linear.scatter [tilespmem:s23], [sflag:$0x2], $0x80, $0x38;
	[tilespmem:$0xB800] =	vst v63  }
0xf2: {  	s23 =	smov.u32 s20;
	s20 =	smov.u32 s22  }
0xf3: {  	s25 =	sadd.s32 $0x1100, s22;
	s20 =	sshra.s32 s20, $0x2;
	s24 =	sadd.s32 $0x9600, s23  }
0xf4: {  	[hbm4b:s21+s3] =	stream.linear.scatter [tilespmem:s24], [sflag:$0x2], $0x80, $0x38;
	[tilespmem:$0xB800] =	vst v63  }
0xf5: {  	p0 =	sne.s32 s22, $0x7700;
	s22 =	sadd.s32 $0x9688, s23;
	s24 =	sadd.s32 $0x10, s21  }
0xf6: {  	[hbm4b:s24+s3] =	stream.linear.scatter [tilespmem:s22], [sflag:$0x2], $0x80, $0x38;
	[tilespmem:$0xB800] =	vst v63  }
0xf7: {  	s22 =	sadd.s32 $0x9710, s23;
	s24 =	sadd.s32 $0x20, s21  }
0xf8: {  	[hbm4b:s24+s3] =	stream.linear.scatter [tilespmem:s22], [sflag:$0x2], $0x80, $0x38;
	[tilespmem:$0xB800] =	vst v63  }
0xf9: {  	s22 =	sadd.s32 $0x9798, s23;
	s24 =	sadd.s32 $0x30, s21  }
0xfa: {  	[hbm4b:s24+s3] =	stream.linear.scatter [tilespmem:s22], [sflag:$0x2], $0x80, $0x38;
	[tilespmem:$0xB800] =	vst v63  }
0xfb: {  	s22 =	sadd.s32 $0x9820, s23;
	s24 =	sadd.s32 $0x40, s21  }
0xfc: {  	[hbm4b:s24+s3] =	stream.linear.scatter [tilespmem:s22], [sflag:$0x2], $0x80, $0x38;
	[tilespmem:$0xB800] =	vst v63  }
.Ltmp6:
0xfd: {  	s22 =	sadd.s32 $0x98A8, s23;
	s24 =	sadd.s32 $0x50, s21;
	(pc) =	sbr.rel @p0 .LBB2_13-.Ltmp6, $4  }
0xfe: {  	[hbm4b:s24+s3] =	stream.linear.scatter [tilespmem:s22], [sflag:$0x2], $0x80, $0x38;
	[tilespmem:$0xB800] =	vst v63  }
0xff: {  	s22 =	sadd.s32 $0x9930, s23;
	s24 =	sadd.s32 $0x60, s21;
	s23 =	sadd.s32 $0x99B8, s23  }
0x100: {  	[hbm4b:s24+s3] =	stream.linear.scatter [tilespmem:s22], [sflag:$0x2], $0x80, $0x38;
	[tilespmem:$0xB800] =	vst v63  }
0x101: {  	s24 =	sadd.s32 $0x70, s21;
	s21 =	sadd.s32 $0x4000, s21;
	s22 =	smov.u32 s25  }
0x102: {  	[hbm4b:s24+s3] =	stream.linear.scatter [tilespmem:s23], [sflag:$0x2], $0x80, $0x38;
	[tilespmem:$0xB800] =	vst v63  }
0x103: {  	s22 =	sadd.s32 $0x9600, s20  }
0x104: {  	[hbm4b:s21+s3] =	stream.linear.scatter [tilespmem:s22], [sflag:$0x2], $0x80, $0x38;
	[tilespmem:$0xB800] =	vst v63  }
0x105: {  	s25 =	sadd.s32 $0x9688, s20;
	s26 =	sadd.s32 $0x10, s21  }
0x106: {  	[hbm4b:s26+s3] =	stream.linear.scatter [tilespmem:s25], [sflag:$0x2], $0x80, $0x38;
	[tilespmem:$0xB800] =	vst v63  }
0x107: {  	s28 =	sadd.s32 $0x9710, s20;
	s29 =	sadd.s32 $0x20, s21  }
0x108: {  	[hbm4b:s29+s3] =	stream.linear.scatter [tilespmem:s28], [sflag:$0x2], $0x80, $0x38;
	[tilespmem:$0xB800] =	vst v63  }
0x109: {  	s30 =	sadd.s32 $0x9798, s20;
	s31 =	sadd.s32 $0x30, s21  }
0x10a: {  	[hbm4b:s31+s3] =	stream.linear.scatter [tilespmem:s30], [sflag:$0x2], $0x80, $0x38;
	[tilespmem:$0xB800] =	vst v63  }
0x10b: {  	s23 =	sadd.s32 $0x9820, s20;
	s24 =	sadd.s32 $0x40, s21;
	s19 =	sadd.s32 $0x1, s19  }
0x10c: {  	[hbm4b:s24+s3] =	stream.linear.scatter [tilespmem:s23], [sflag:$0x2], $0x80, $0x38;
	[tilespmem:$0xB800] =	vst v63  }
0x10d: {  	p0 =	sne.s32 s19, $0x34;
	s25 =	sadd.s32 $0x98A8, s20;
	s26 =	sadd.s32 $0x50, s21  }
0x10e: {  	[hbm4b:s26+s3] =	stream.linear.scatter [tilespmem:s25], [sflag:$0x2], $0x80, $0x38;
	[tilespmem:$0xB800] =	vst v63  }
.Ltmp7:
0x10f: {  	_ = 	snop;
	(pc) =	sbr.rel @p0 .LBB2_2-.Ltmp7, $4  }
0x110: {  	s28 =	sadd.s32 $0x9930, s20;
	s29 =	sadd.s32 $0x60, s21  }
0x111: {  	[hbm4b:s29+s3] =	stream.linear.scatter [tilespmem:s28], [sflag:$0x2], $0x80, $0x38;
	[tilespmem:$0xB800] =	vst v63  }
0x112: {  	s30 =	sadd.s32 $0x99B8, s20;
	s31 =	sadd.s32 $0x70, s21  }
0x113: {  	[hbm4b:s31+s3] =	stream.linear.scatter [tilespmem:s30], [sflag:$0x2], $0x80, $0x38;
	[tilespmem:$0xB800] =	vst v63  }
0x114: {  	s18 =	sadd.s32 $0x1, s18  }
0x115: {  	_ =	swait.ge [sflag:s16], $0x2000;
	p0 =	sne.s32 s18, s7  }
.Ltmp8:
0x116: {  	[sflag:s16] =	ssyncset.done $0x0;
	(pc) =	sbr.rel @p0 .LBB2_1-.Ltmp8, $4  }
0x117: {  	[sflag:s16] =	ssyncadd.s32 $0xFFFFE000  }
0x118: {  	_ =	swait.ge [sflag:s16], $0x2000  }
0x119: {  	[sflag:s16] =	ssyncset.done $0x0  }
0x11a: {  	[sflag:s16] =	ssyncadd.s32 $0xFFFFE000  }
0x11b: {  	_ =	sfence.sel $0x180000  }
0x11c: {  	[bflag:$0x0] =	sbarrier.arrive $0xFFFF  }
0x11d: {  	p0 =	sne.s32 s0, $0x0;
	_ =	strace $0x90000047  }
0x11e: {  	s0 =	sadd.s32 @!p0 $0x100000, s1;
	[bflag:$0x2] =	sbarrier.arrive $0xFFFF  }
0x11f: {  	[sflag:s0] =	ssyncadd.tile.s32 @!p0 $0x1;
	_ =	shalt  }
.Lfunc_end2:
_tile_overlayer_lowered:
.L_overlay_start_2:
0x120: {  	(tag) =	ssettag $0x2  }
0x121: {  	s0 =	rddreg [dreg:$0x0];
	s2 =	stileid.u32  }
0x122: {  	s1 =	rddreg [dreg:$0x1];
	p0 =	sne.s32 s2, $0x0  }
0x123: {  	s3 =	rddreg [dreg:$0x2];
	[bflag:$0x3] =	sbarrier.arrive $0xFFFF;
	s2 =	simm.s32 @!p0 $0x1C03  }
0x124: {  	[timem:s3], [sflag:s2] =	dma.local @!p0 [hbm:s0], s1  }
0x125: {  	s0 =	simm.s32 @!p0 $0x3  }
0x126: {  	_ =	swait.ge @!p0 [sflag:s0], s1  }
0x127: {  	s1 =	ssub.s32 @!p0 $0x0, s1;
	[sflag:s0] =	ssyncset.done @!p0 $0x0  }
0x128: {  	[sflag:s0] =	ssyncadd.s32 @!p0 s1  }
0x129: {  	[bflag:$0x3] =	sbarrier.arrive $0xFFFF  }
0x12a: {  	_ =	shalt  }

</sc_bundles>
